<compile_context>
chip_gen: v7x
topology: tpu7x:2x2x1
jax: 0.10.2.dev20260603
libtpu: 0.0.44.dev20260713+nightly
codegen_flags: <defaults>
</compile_context>

<pallas_src>
import functools

import jax
import jax.numpy as jnp
from jax import lax
from jax.experimental import pallas as pl
from jax.experimental.pallas import tpu as pltpu
from jax.experimental.pallas import tpu_sc as plsc

_D = 64
_T = 10
_N = 100000

_NW = 32
_W = 1536
_NSC = _NW * _W

_NBLK = 6144
_KTC = 9
_NPAD = _NSC + _KTC * _NBLK
_LANES = 16



_HW = _W // 2
_G = 8


def _sc_chunk(buf_v, hb_v, acc_v, off):

    def gb_body(gb, carry):
        base = pl.multiple_of(gb * (_G * _LANES), _G * _LANES)

        def k_body(k, accs):
            hk = hb_v[k, :]
            return tuple(
                accs[j] + hk * buf_v[k, pl.ds(base + j * _LANES, _LANES)]
                for j in range(_G)
            )

        zero = jnp.zeros((_LANES,), jnp.float32)
        accs = lax.fori_loop(0, _D, k_body, (zero,) * _G)
        for j in range(_G):
            acc_v[pl.ds(off + base + j * _LANES, _LANES)] = accs[j]
        return carry

    lax.fori_loop(0, _HW // (_G * _LANES), gb_body, 0)


def _sc_body(rank_hbm, hb_hbm, out_hbm, buf0_v, buf1_v, hb_v, acc_v,
             sem0, sem1):
    wid = lax.axis_index("s") * 2 + lax.axis_index("c")
    col0 = wid * _W
    pltpu.sync_copy(hb_hbm, hb_v)
    cp0 = pltpu.async_copy(rank_hbm.at[:, pl.ds(col0, _HW)], buf0_v, sem0)
    cp1 = pltpu.async_copy(rank_hbm.at[:, pl.ds(col0 + _HW, _HW)], buf1_v,
                           sem1)
    cp0.wait()
    _sc_chunk(buf0_v, hb_v, acc_v, 0)
    cp1.wait()
    _sc_chunk(buf1_v, hb_v, acc_v, _HW)
    pltpu.sync_copy(acc_v, out_hbm.at[pl.ds(col0, _W)])


@functools.partial(
    pl.kernel,
    out_type=jax.ShapeDtypeStruct((_NSC,), jnp.float32),
    mesh=plsc.VectorSubcoreMesh(core_axis_name="c", subcore_axis_name="s",
                                num_cores=2, num_subcores=16),
    scratch_types=[
        pltpu.VMEM((_D, _HW), jnp.float32),
        pltpu.VMEM((_D, _HW), jnp.float32),
        pltpu.VMEM((_D, _LANES), jnp.float32),
        pltpu.VMEM((_W,), jnp.float32),
        pltpu.SemaphoreType.DMA,
        pltpu.SemaphoreType.DMA,
    ],
)
def _sc_logits(rank_hbm, hb_hbm, out_hbm, buf0_v, buf1_v, hb_v, acc_v,
               sem0, sem1):
    _sc_body(rank_hbm, hb_hbm, out_hbm, buf0_v, buf1_v, hb_v, acc_v,
             sem0, sem1)



def _tc_matvec(h_ref, cls_ref, rank_ref, pred_ref, logits_ref):
    i = pl.program_id(0)
    h = h_ref[:, :]
    logits_ref[:, :] = jnp.dot(h, rank_ref[:, :],
                               preferred_element_type=jnp.float32)

    @pl.when(i == _KTC - 1)
    def _pred():
        pred_ref[:, :] = jnp.dot(h, cls_ref[:, :],
                                 preferred_element_type=jnp.float32)



def _tc_softmax(sc_ref, tc_ref, attn_ref):
    cols_sc = jax.lax.broadcasted_iota(jnp.int32, (1, _NSC), 1)
    cols_tc = jax.lax.broadcasted_iota(jnp.int32, (1, _NPAD - _NSC), 1) + _NSC
    lsc = sc_ref[:, :]
    ltc = jnp.where(cols_tc < _N, tc_ref[:, :], -jnp.inf)
    m = jnp.maximum(jnp.max(lsc), jnp.max(ltc))
    esc = jnp.exp(lsc - m)
    etc = jnp.exp(ltc - m)
    s = jnp.sum(esc) + jnp.sum(etc)
    inv = 1.0 / s
    attn_ref[:, : _NSC] = esc * inv
    attn_ref[:, _NSC:] = (etc * inv)[:, : _N - _NSC]


@jax.jit
def kernel(hidden_state, theta_classification, theta_rank):
    h = hidden_state.reshape(1, _D)
    hb = jnp.broadcast_to(hidden_state.reshape(_D, 1), (_D, _LANES))
    hb = jnp.asarray(hb, dtype=jnp.float32)

    logits_sc = _sc_logits(theta_rank, hb)

    pred, logits_tc = pl.pallas_call(
        _tc_matvec,
        grid=(_KTC,),
        in_specs=[
            pl.BlockSpec((1, _D), lambda i: (0, 0)),
            pl.BlockSpec((_D, _T), lambda i: (0, 0)),
            pl.BlockSpec((_D, _NBLK), lambda i: (0, i + _NSC // _NBLK)),
        ],
        out_specs=[
            pl.BlockSpec((1, _T), lambda i: (0, 0)),
            pl.BlockSpec((1, _NBLK), lambda i: (0, i)),
        ],
        out_shape=[
            jax.ShapeDtypeStruct((1, _T), jnp.float32),
            jax.ShapeDtypeStruct((1, _NPAD - _NSC), jnp.float32),
        ],
    )(h, theta_classification, theta_rank)

    attn = pl.pallas_call(
        _tc_softmax,
        out_shape=jax.ShapeDtypeStruct((1, _N), jnp.float32),
    )(logits_sc.reshape(1, _NSC), logits_tc)

    return (pred, attn)

# --- scband reference (transcript-rebuilt; emitter-appended) ---
"""Pipeline reference for scband-gam-37812892074506 (READ-ONLY COPY).

The authoritative reference and input builder live on the scoring server;
editing this copy changes nothing except your own understanding.
"""

import jax, jax.numpy as jnp
import numpy as np

COMBINED_DIM = 64
TARGET_NUMBER = 10
NUM_IDENTIFIERS = 100000

def setup_inputs(seed: int = 0) -> dict:
    key = jax.random.key(seed)
    k1, k2, k3 = jax.random.split(key, 3)
    hidden_state = jax.random.normal(k1, (1, COMBINED_DIM), dtype=jnp.float32)
    # xavier_normal init for theta_classification [combined_dim, target_number]
    std_cls = float(np.sqrt(2.0 / (COMBINED_DIM + TARGET_NUMBER)))
    theta_classification = jax.random.normal(k2, (COMBINED_DIM, TARGET_NUMBER), dtype=jnp.float32) * std_cls
    # xavier_normal init for theta_rank [combined_dim, num_identifiers]
    std_rank = float(np.sqrt(2.0 / (COMBINED_DIM + NUM_IDENTIFIERS)))
    theta_rank = jax.random.normal(k3, (COMBINED_DIM, NUM_IDENTIFIERS), dtype=jnp.float32) * std_rank
    return {"hidden_state": hidden_state, "theta_classification": theta_classification, "theta_rank": theta_rank}

def reference(hidden_state, theta_classification, theta_rank):
    # Faithful translation of DownStreamNetworkLayer.forward (the GAM downstream head):
    #   predictions = hidden_state.view(1,-1) @ theta_classification
    #   attention   = softmax(hidden_state.view(1,-1) @ theta_rank, dim=1)
    h = hidden_state.reshape(1, -1)
    predictions = jnp.matmul(h, theta_classification)
    attention_logits = jnp.matmul(h, theta_rank)
    attention = jax.nn.softmax(attention_logits, axis=1)
    return (predictions, attention)

if __name__ == "__main__":
    import jax
    _d = setup_inputs()
    print(jax.jit(kernel)(*tuple(_d.values())))

</pallas_src>

<mosaic_0001>
#map = affine_map<(d0, d1) -> (0, 0)>
#map1 = affine_map<(d0, d1) -> (0)>
module attributes {stable_mosaic.version = 14 : i64} {
  func.func @_sc_logits(%arg0: i32, %arg1: i32, %arg2: memref<64x100000xf32, #tpu.memory_space<hbm>>, %arg3: memref<64x16xf32, #tpu.memory_space<hbm>>, %arg4: memref<49152xf32, #tpu.memory_space<hbm>>, %arg5: memref<64x768xf32, #tpu.memory_space<vmem>>, %arg6: memref<64x768xf32, #tpu.memory_space<vmem>>, %arg7: memref<64x16xf32, #tpu.memory_space<vmem>>, %arg8: memref<1536xf32, #tpu.memory_space<vmem>>, %arg9: memref<!tpu.dma_semaphore, #tpu.memory_space<semaphore_mem>>, %arg10: memref<!tpu.dma_semaphore, #tpu.memory_space<semaphore_mem>>) attributes {dimension_semantics = [#tpu.dimension_semantics<core_parallel>, #tpu.dimension_semantics<subcore_parallel>], iteration_bounds = array<i64: 2, 16>, scalar_prefetch = 0 : i64, scratch_operands = 6 : i64, tpu.core_type = #tpu.core_type<sc_vector_subcore>, window_params = [{transform_indices = #map}, {transform_indices = #map}, {transform_indices = #map1}]} {
    %mul3A = arith.constant 2 : i32
    %mul3A_0 = arith.muli %arg1, %mul3A : i32
    %add3A = arith.addi %mul3A_0, %arg0 : i32
    %mul3A_1 = arith.constant 1536 : i32
    %mul3A_2 = arith.muli %add3A, %mul3A_1 : i32
    "tpu.region"() ({
      %run_scoped3A = tpu.sem_alloc : memref<!tpu.dma_semaphore, #tpu.memory_space<semaphore_mem>>
      tpu.enqueue_dma source(%arg3 : memref<64x16xf32, #tpu.memory_space<hbm>>) target(%arg7 : memref<64x16xf32, #tpu.memory_space<vmem>>) target_semaphore(%run_scoped3A : memref<!tpu.dma_semaphore, #tpu.memory_space<semaphore_mem>>)
      tpu.wait_dma2 semaphore(%run_scoped3A : memref<!tpu.dma_semaphore, #tpu.memory_space<semaphore_mem>>) src(%arg3 : memref<64x16xf32, #tpu.memory_space<hbm>>) dst(%arg7 : memref<64x16xf32, #tpu.memory_space<vmem>>)
      tpu.yield
    }) : () -> ()
    %dma_start3A = arith.constant 0 : i32
    %dma_start3A_3 = tpu.memref_slice %arg2[%dma_start3A, %mul3A_2] : memref<64x100000xf32, #tpu.memory_space<hbm>> -> memref<64x768xf32, #tpu.memory_space<hbm>>
    %dma_start3A_4 = arith.constant 0 : i32
    %dma_start3A_5 = tpu.memref_slice %arg2[%dma_start3A_4, %mul3A_2] : memref<64x100000xf32, #tpu.memory_space<hbm>> -> memref<64x768xf32, #tpu.memory_space<hbm>>
    tpu.enqueue_dma source(%dma_start3A_5 : memref<64x768xf32, #tpu.memory_space<hbm>>) target(%arg5 : memref<64x768xf32, #tpu.memory_space<vmem>>) target_semaphore(%arg9 : memref<!tpu.dma_semaphore, #tpu.memory_space<semaphore_mem>>)
    %add3A_6 = arith.constant 768 : i32
    %add3A_7 = arith.addi %mul3A_2, %add3A_6 : i32
    %dma_start3A_8 = arith.constant 0 : i32
    %dma_start3A_9 = tpu.memref_slice %arg2[%dma_start3A_8, %add3A_7] : memref<64x100000xf32, #tpu.memory_space<hbm>> -> memref<64x768xf32, #tpu.memory_space<hbm>>
    %dma_start3A_10 = arith.constant 0 : i32
    %dma_start3A_11 = tpu.memref_slice %arg2[%dma_start3A_10, %add3A_7] : memref<64x100000xf32, #tpu.memory_space<hbm>> -> memref<64x768xf32, #tpu.memory_space<hbm>>
    tpu.enqueue_dma source(%dma_start3A_11 : memref<64x768xf32, #tpu.memory_space<hbm>>) target(%arg6 : memref<64x768xf32, #tpu.memory_space<vmem>>) target_semaphore(%arg10 : memref<!tpu.dma_semaphore, #tpu.memory_space<semaphore_mem>>)
    %dma_wait3A = arith.constant 0 : i32
    %dma_wait3A_12 = tpu.memref_slice %arg2[%dma_wait3A, %mul3A_2] : memref<64x100000xf32, #tpu.memory_space<hbm>> -> memref<64x768xf32, #tpu.memory_space<hbm>>
    %dma_wait3A_13 = arith.constant 0 : i32
    %dma_wait3A_14 = tpu.memref_slice %arg2[%dma_wait3A_13, %mul3A_2] : memref<64x100000xf32, #tpu.memory_space<hbm>> -> memref<64x768xf32, #tpu.memory_space<hbm>>
    tpu.wait_dma2 semaphore(%arg9 : memref<!tpu.dma_semaphore, #tpu.memory_space<semaphore_mem>>) src(%dma_wait3A_14 : memref<64x768xf32, #tpu.memory_space<hbm>>) dst(%arg5 : memref<64x768xf32, #tpu.memory_space<vmem>>)
    %scan3A = arith.constant 0 : i32
    %scan3A_15 = arith.constant 0 : i32
    %scan3A_16 = arith.constant 6 : i32
    %scan3A_17 = arith.addi %scan3A_15, %scan3A_16 : i32
    %scan3A_18 = arith.constant 1 : i32
    scf.for %scan3A_30 = %scan3A_15 to %scan3A_17 step %scan3A_18  : i32 {
      %mul3A_31 = arith.constant 128 : i32
      %mul3A_32 = arith.muli %scan3A_30, %mul3A_31 : i32
      %multiple_of3A = tpu.assume_multiple %mul3A_32, 128 : i32
      %broadcast_in_dim3A = arith.constant 0.000000e+00 : f32
      %broadcast_in_dim3A_33 = vector.broadcast %broadcast_in_dim3A : f32 to vector<16xf32>
      %scan3A_34 = arith.constant 0 : i32
      %scan3A_35 = arith.constant 64 : i32
      %scan3A_36 = arith.addi %scan3A_34, %scan3A_35 : i32
      %scan3A_37 = arith.constant 1 : i32
      %scan3A_38:8 = scf.for %scan3A_103 = %scan3A_34 to %scan3A_36 step %scan3A_37 iter_args(%scan3A_104 = %broadcast_in_dim3A_33, %scan3A_105 = %broadcast_in_dim3A_33, %scan3A_106 = %broadcast_in_dim3A_33, %scan3A_107 = %broadcast_in_dim3A_33, %scan3A_108 = %broadcast_in_dim3A_33, %scan3A_109 = %broadcast_in_dim3A_33, %scan3A_110 = %broadcast_in_dim3A_33, %scan3A_111 = %broadcast_in_dim3A_33) -> (vector<16xf32>, vector<16xf32>, vector<16xf32>, vector<16xf32>, vector<16xf32>, vector<16xf32>, vector<16xf32>, vector<16xf32>)  : i32 {
        %get3A = arith.index_cast %scan3A_103 : i32 to index
        %get3A_112 = arith.constant 0 : index
        %get3A_113 = tpu.vector_load %arg7[%get3A, %get3A_112] {strides = array<i32>} : memref<64x16xf32, #tpu.memory_space<vmem>>, vector<1x16xf32>,
        %get3A_114 = vector.shape_cast %get3A_113 : vector<1x16xf32> to vector<16xf32>
        %add3A_115 = arith.constant 0 : i32
        %add3A_116 = arith.addi %multiple_of3A, %add3A_115 : i32
        %get3A_117 = arith.index_cast %scan3A_103 : i32 to index
        %get3A_118 = arith.index_cast %add3A_116 : i32 to index
        %get3A_119 = tpu.vector_load %arg5[%get3A_117, %get3A_118] {strides = array<i32>} : memref<64x768xf32, #tpu.memory_space<vmem>>, vector<1x16xf32>,
        %get3A_120 = vector.shape_cast %get3A_119 : vector<1x16xf32> to vector<16xf32>
        %mul3A_121 = arith.mulf %get3A_114, %get3A_120 : vector<16xf32>
        %add3A_122 = arith.addf %scan3A_104, %mul3A_121 : vector<16xf32>
        %add3A_123 = arith.constant 16 : i32
        %add3A_124 = arith.addi %multiple_of3A, %add3A_123 : i32
        %get3A_125 = arith.index_cast %scan3A_103 : i32 to index
        %get3A_126 = arith.index_cast %add3A_124 : i32 to index
        %get3A_127 = tpu.vector_load %arg5[%get3A_125, %get3A_126] {strides = array<i32>} : memref<64x768xf32, #tpu.memory_space<vmem>>, vector<1x16xf32>,
        %get3A_128 = vector.shape_cast %get3A_127 : vector<1x16xf32> to vector<16xf32>
        %mul3A_129 = arith.mulf %get3A_114, %get3A_128 : vector<16xf32>
        %add3A_130 = arith.addf %scan3A_105, %mul3A_129 : vector<16xf32>
        %add3A_131 = arith.constant 32 : i32
        %add3A_132 = arith.addi %multiple_of3A, %add3A_131 : i32
        %get3A_133 = arith.index_cast %scan3A_103 : i32 to index
        %get3A_134 = arith.index_cast %add3A_132 : i32 to index
        %get3A_135 = tpu.vector_load %arg5[%get3A_133, %get3A_134] {strides = array<i32>} : memref<64x768xf32, #tpu.memory_space<vmem>>, vector<1x16xf32>,
        %get3A_136 = vector.shape_cast %get3A_135 : vector<1x16xf32> to vector<16xf32>
        %mul3A_137 = arith.mulf %get3A_114, %get3A_136 : vector<16xf32>
        %add3A_138 = arith.addf %scan3A_106, %mul3A_137 : vector<16xf32>
        %add3A_139 = arith.constant 48 : i32
        %add3A_140 = arith.addi %multiple_of3A, %add3A_139 : i32
        %get3A_141 = arith.index_cast %scan3A_103 : i32 to index
        %get3A_142 = arith.index_cast %add3A_140 : i32 to index
        %get3A_143 = tpu.vector_load %arg5[%get3A_141, %get3A_142] {strides = array<i32>} : memref<64x768xf32, #tpu.memory_space<vmem>>, vector<1x16xf32>,
        %get3A_144 = vector.shape_cast %get3A_143 : vector<1x16xf32> to vector<16xf32>
        %mul3A_145 = arith.mulf %get3A_114, %get3A_144 : vector<16xf32>
        %add3A_146 = arith.addf %scan3A_107, %mul3A_145 : vector<16xf32>
        %add3A_147 = arith.constant 64 : i32
        %add3A_148 = arith.addi %multiple_of3A, %add3A_147 : i32
        %get3A_149 = arith.index_cast %scan3A_103 : i32 to index
        %get3A_150 = arith.index_cast %add3A_148 : i32 to index
        %get3A_151 = tpu.vector_load %arg5[%get3A_149, %get3A_150] {strides = array<i32>} : memref<64x768xf32, #tpu.memory_space<vmem>>, vector<1x16xf32>,
        %get3A_152 = vector.shape_cast %get3A_151 : vector<1x16xf32> to vector<16xf32>
        %mul3A_153 = arith.mulf %get3A_114, %get3A_152 : vector<16xf32>
        %add3A_154 = arith.addf %scan3A_108, %mul3A_153 : vector<16xf32>
        %add3A_155 = arith.constant 80 : i32
        %add3A_156 = arith.addi %multiple_of3A, %add3A_155 : i32
        %get3A_157 = arith.index_cast %scan3A_103 : i32 to index
        %get3A_158 = arith.index_cast %add3A_156 : i32 to index
        %get3A_159 = tpu.vector_load %arg5[%get3A_157, %get3A_158] {strides = array<i32>} : memref<64x768xf32, #tpu.memory_space<vmem>>, vector<1x16xf32>,
        %get3A_160 = vector.shape_cast %get3A_159 : vector<1x16xf32> to vector<16xf32>
        %mul3A_161 = arith.mulf %get3A_114, %get3A_160 : vector<16xf32>
        %add3A_162 = arith.addf %scan3A_109, %mul3A_161 : vector<16xf32>
        %add3A_163 = arith.constant 96 : i32
        %add3A_164 = arith.addi %multiple_of3A, %add3A_163 : i32
        %get3A_165 = arith.index_cast %scan3A_103 : i32 to index
        %get3A_166 = arith.index_cast %add3A_164 : i32 to index
        %get3A_167 = tpu.vector_load %arg5[%get3A_165, %get3A_166] {strides = array<i32>} : memref<64x768xf32, #tpu.memory_space<vmem>>, vector<1x16xf32>,
        %get3A_168 = vector.shape_cast %get3A_167 : vector<1x16xf32> to vector<16xf32>
        %mul3A_169 = arith.mulf %get3A_114, %get3A_168 : vector<16xf32>
        %add3A_170 = arith.addf %scan3A_110, %mul3A_169 : vector<16xf32>
        %add3A_171 = arith.constant 112 : i32
        %add3A_172 = arith.addi %multiple_of3A, %add3A_171 : i32
        %get3A_173 = arith.index_cast %scan3A_103 : i32 to index
        %get3A_174 = arith.index_cast %add3A_172 : i32 to index
        %get3A_175 = tpu.vector_load %arg5[%get3A_173, %get3A_174] {strides = array<i32>} : memref<64x768xf32, #tpu.memory_space<vmem>>, vector<1x16xf32>,
        %get3A_176 = vector.shape_cast %get3A_175 : vector<1x16xf32> to vector<16xf32>
        %mul3A_177 = arith.mulf %get3A_114, %get3A_176 : vector<16xf32>
        %add3A_178 = arith.addf %scan3A_111, %mul3A_177 : vector<16xf32>
        scf.yield %add3A_122, %add3A_130, %add3A_138, %add3A_146, %add3A_154, %add3A_162, %add3A_170, %add3A_178 : vector<16xf32>, vector<16xf32>, vector<16xf32>, vector<16xf32>, vector<16xf32>, vector<16xf32>, vector<16xf32>, vector<16xf32>
      }
      %scan3A_39 = arith.constant 64 : i32
      %add3A_40 = arith.constant 0 : i32
      %add3A_41 = arith.addi %add3A_40, %multiple_of3A : i32
      %add3A_42 = arith.constant 0 : i32
      %add3A_43 = arith.addi %add3A_41, %add3A_42 : i32
      %swap3A = arith.index_cast %add3A_43 : i32 to index
      %swap3A_44 = tpu.vector_load %arg8[%swap3A] {strides = array<i32>} : memref<1536xf32, #tpu.memory_space<vmem>>, vector<16xf32>,
      %swap3A_45 = vector.shape_cast %swap3A_44 : vector<16xf32> to vector<16xf32>
      %swap3A_46 = vector.shape_cast %scan3A_38#0 : vector<16xf32> to vector<16xf32>
      tpu.vector_store %arg8[%swap3A], %swap3A_46 {strides = array<i32>} : memref<1536xf32, #tpu.memory_space<vmem>>, vector<16xf32>,
      %add3A_47 = arith.constant 0 : i32
      %add3A_48 = arith.addi %add3A_47, %multiple_of3A : i32
      %add3A_49 = arith.constant 16 : i32
      %add3A_50 = arith.addi %add3A_48, %add3A_49 : i32
      %swap3A_51 = arith.index_cast %add3A_50 : i32 to index
      %swap3A_52 = tpu.vector_load %arg8[%swap3A_51] {strides = array<i32>} : memref<1536xf32, #tpu.memory_space<vmem>>, vector<16xf32>,
      %swap3A_53 = vector.shape_cast %swap3A_52 : vector<16xf32> to vector<16xf32>
      %swap3A_54 = vector.shape_cast %scan3A_38#1 : vector<16xf32> to vector<16xf32>
      tpu.vector_store %arg8[%swap3A_51], %swap3A_54 {strides = array<i32>} : memref<1536xf32, #tpu.memory_space<vmem>>, vector<16xf32>,
      %add3A_55 = arith.constant 0 : i32
      %add3A_56 = arith.addi %add3A_55, %multiple_of3A : i32
      %add3A_57 = arith.constant 32 : i32
      %add3A_58 = arith.addi %add3A_56, %add3A_57 : i32
      %swap3A_59 = arith.index_cast %add3A_58 : i32 to index
      %swap3A_60 = tpu.vector_load %arg8[%swap3A_59] {strides = array<i32>} : memref<1536xf32, #tpu.memory_space<vmem>>, vector<16xf32>,
      %swap3A_61 = vector.shape_cast %swap3A_60 : vector<16xf32> to vector<16xf32>
      %swap3A_62 = vector.shape_cast %scan3A_38#2 : vector<16xf32> to vector<16xf32>
      tpu.vector_store %arg8[%swap3A_59], %swap3A_62 {strides = array<i32>} : memref<1536xf32, #tpu.memory_space<vmem>>, vector<16xf32>,
      %add3A_63 = arith.constant 0 : i32
      %add3A_64 = arith.addi %add3A_63, %multiple_of3A : i32
      %add3A_65 = arith.constant 48 : i32
      %add3A_66 = arith.addi %add3A_64, %add3A_65 : i32
      %swap3A_67 = arith.index_cast %add3A_66 : i32 to index
      %swap3A_68 = tpu.vector_load %arg8[%swap3A_67] {strides = array<i32>} : memref<1536xf32, #tpu.memory_space<vmem>>, vector<16xf32>,
      %swap3A_69 = vector.shape_cast %swap3A_68 : vector<16xf32> to vector<16xf32>
      %swap3A_70 = vector.shape_cast %scan3A_38#3 : vector<16xf32> to vector<16xf32>
      tpu.vector_store %arg8[%swap3A_67], %swap3A_70 {strides = array<i32>} : memref<1536xf32, #tpu.memory_space<vmem>>, vector<16xf32>,
      %add3A_71 = arith.constant 0 : i32
      %add3A_72 = arith.addi %add3A_71, %multiple_of3A : i32
      %add3A_73 = arith.constant 64 : i32
      %add3A_74 = arith.addi %add3A_72, %add3A_73 : i32
      %swap3A_75 = arith.index_cast %add3A_74 : i32 to index
      %swap3A_76 = tpu.vector_load %arg8[%swap3A_75] {strides = array<i32>} : memref<1536xf32, #tpu.memory_space<vmem>>, vector<16xf32>,
      %swap3A_77 = vector.shape_cast %swap3A_76 : vector<16xf32> to vector<16xf32>
      %swap3A_78 = vector.shape_cast %scan3A_38#4 : vector<16xf32> to vector<16xf32>
      tpu.vector_store %arg8[%swap3A_75], %swap3A_78 {strides = array<i32>} : memref<1536xf32, #tpu.memory_space<vmem>>, vector<16xf32>,
      %add3A_79 = arith.constant 0 : i32
      %add3A_80 = arith.addi %add3A_79, %multiple_of3A : i32
      %add3A_81 = arith.constant 80 : i32
      %add3A_82 = arith.addi %add3A_80, %add3A_81 : i32
      %swap3A_83 = arith.index_cast %add3A_82 : i32 to index
      %swap3A_84 = tpu.vector_load %arg8[%swap3A_83] {strides = array<i32>} : memref<1536xf32, #tpu.memory_space<vmem>>, vector<16xf32>,
      %swap3A_85 = vector.shape_cast %swap3A_84 : vector<16xf32> to vector<16xf32>
      %swap3A_86 = vector.shape_cast %scan3A_38#5 : vector<16xf32> to vector<16xf32>
      tpu.vector_store %arg8[%swap3A_83], %swap3A_86 {strides = array<i32>} : memref<1536xf32, #tpu.memory_space<vmem>>, vector<16xf32>,
      %add3A_87 = arith.constant 0 : i32
      %add3A_88 = arith.addi %add3A_87, %multiple_of3A : i32
      %add3A_89 = arith.constant 96 : i32
      %add3A_90 = arith.addi %add3A_88, %add3A_89 : i32
      %swap3A_91 = arith.index_cast %add3A_90 : i32 to index
      %swap3A_92 = tpu.vector_load %arg8[%swap3A_91] {strides = array<i32>} : memref<1536xf32, #tpu.memory_space<vmem>>, vector<16xf32>,
      %swap3A_93 = vector.shape_cast %swap3A_92 : vector<16xf32> to vector<16xf32>
      %swap3A_94 = vector.shape_cast %scan3A_38#6 : vector<16xf32> to vector<16xf32>
      tpu.vector_store %arg8[%swap3A_91], %swap3A_94 {strides = array<i32>} : memref<1536xf32, #tpu.memory_space<vmem>>, vector<16xf32>,
      %add3A_95 = arith.constant 0 : i32
      %add3A_96 = arith.addi %add3A_95, %multiple_of3A : i32
      %add3A_97 = arith.constant 112 : i32
      %add3A_98 = arith.addi %add3A_96, %add3A_97 : i32
      %swap3A_99 = arith.index_cast %add3A_98 : i32 to index
      %swap3A_100 = tpu.vector_load %arg8[%swap3A_99] {strides = array<i32>} : memref<1536xf32, #tpu.memory_space<vmem>>, vector<16xf32>,
      %swap3A_101 = vector.shape_cast %swap3A_100 : vector<16xf32> to vector<16xf32>
      %swap3A_102 = vector.shape_cast %scan3A_38#7 : vector<16xf32> to vector<16xf32>
      tpu.vector_store %arg8[%swap3A_99], %swap3A_102 {strides = array<i32>} : memref<1536xf32, #tpu.memory_space<vmem>>, vector<16xf32>,
    }
    %scan3A_19 = arith.constant 6 : i32
    %dma_wait3A_20 = arith.constant 0 : i32
    %dma_wait3A_21 = tpu.memref_slice %arg2[%dma_wait3A_20, %add3A_7] : memref<64x100000xf32, #tpu.memory_space<hbm>> -> memref<64x768xf32, #tpu.memory_space<hbm>>
    %dma_wait3A_22 = arith.constant 0 : i32
    %dma_wait3A_23 = tpu.memref_slice %arg2[%dma_wait3A_22, %add3A_7] : memref<64x100000xf32, #tpu.memory_space<hbm>> -> memref<64x768xf32, #tpu.memory_space<hbm>>
    tpu.wait_dma2 semaphore(%arg10 : memref<!tpu.dma_semaphore, #tpu.memory_space<semaphore_mem>>) src(%dma_wait3A_23 : memref<64x768xf32, #tpu.memory_space<hbm>>) dst(%arg6 : memref<64x768xf32, #tpu.memory_space<vmem>>)
    %scan3A_24 = arith.constant 0 : i32
    %scan3A_25 = arith.constant 0 : i32
    %scan3A_26 = arith.constant 6 : i32
    %scan3A_27 = arith.addi %scan3A_25, %scan3A_26 : i32
    %scan3A_28 = arith.constant 1 : i32
    scf.for %scan3A_30 = %scan3A_25 to %scan3A_27 step %scan3A_28  : i32 {
      %mul3A_31 = arith.constant 128 : i32
      %mul3A_32 = arith.muli %scan3A_30, %mul3A_31 : i32
      %multiple_of3A = tpu.assume_multiple %mul3A_32, 128 : i32
      %broadcast_in_dim3A = arith.constant 0.000000e+00 : f32
      %broadcast_in_dim3A_33 = vector.broadcast %broadcast_in_dim3A : f32 to vector<16xf32>
      %scan3A_34 = arith.constant 0 : i32
      %scan3A_35 = arith.constant 64 : i32
      %scan3A_36 = arith.addi %scan3A_34, %scan3A_35 : i32
      %scan3A_37 = arith.constant 1 : i32
      %scan3A_38:8 = scf.for %scan3A_103 = %scan3A_34 to %scan3A_36 step %scan3A_37 iter_args(%scan3A_104 = %broadcast_in_dim3A_33, %scan3A_105 = %broadcast_in_dim3A_33, %scan3A_106 = %broadcast_in_dim3A_33, %scan3A_107 = %broadcast_in_dim3A_33, %scan3A_108 = %broadcast_in_dim3A_33, %scan3A_109 = %broadcast_in_dim3A_33, %scan3A_110 = %broadcast_in_dim3A_33, %scan3A_111 = %broadcast_in_dim3A_33) -> (vector<16xf32>, vector<16xf32>, vector<16xf32>, vector<16xf32>, vector<16xf32>, vector<16xf32>, vector<16xf32>, vector<16xf32>)  : i32 {
        %get3A = arith.index_cast %scan3A_103 : i32 to index
        %get3A_112 = arith.constant 0 : index
        %get3A_113 = tpu.vector_load %arg7[%get3A, %get3A_112] {strides = array<i32>} : memref<64x16xf32, #tpu.memory_space<vmem>>, vector<1x16xf32>,
        %get3A_114 = vector.shape_cast %get3A_113 : vector<1x16xf32> to vector<16xf32>
        %add3A_115 = arith.constant 0 : i32
        %add3A_116 = arith.addi %multiple_of3A, %add3A_115 : i32
        %get3A_117 = arith.index_cast %scan3A_103 : i32 to index
        %get3A_118 = arith.index_cast %add3A_116 : i32 to index
        %get3A_119 = tpu.vector_load %arg6[%get3A_117, %get3A_118] {strides = array<i32>} : memref<64x768xf32, #tpu.memory_space<vmem>>, vector<1x16xf32>,
        %get3A_120 = vector.shape_cast %get3A_119 : vector<1x16xf32> to vector<16xf32>
        %mul3A_121 = arith.mulf %get3A_114, %get3A_120 : vector<16xf32>
        %add3A_122 = arith.addf %scan3A_104, %mul3A_121 : vector<16xf32>
        %add3A_123 = arith.constant 16 : i32
        %add3A_124 = arith.addi %multiple_of3A, %add3A_123 : i32
        %get3A_125 = arith.index_cast %scan3A_103 : i32 to index
        %get3A_126 = arith.index_cast %add3A_124 : i32 to index
        %get3A_127 = tpu.vector_load %arg6[%get3A_125, %get3A_126] {strides = array<i32>} : memref<64x768xf32, #tpu.memory_space<vmem>>, vector<1x16xf32>,
        %get3A_128 = vector.shape_cast %get3A_127 : vector<1x16xf32> to vector<16xf32>
        %mul3A_129 = arith.mulf %get3A_114, %get3A_128 : vector<16xf32>
        %add3A_130 = arith.addf %scan3A_105, %mul3A_129 : vector<16xf32>
        %add3A_131 = arith.constant 32 : i32
        %add3A_132 = arith.addi %multiple_of3A, %add3A_131 : i32
        %get3A_133 = arith.index_cast %scan3A_103 : i32 to index
        %get3A_134 = arith.index_cast %add3A_132 : i32 to index
        %get3A_135 = tpu.vector_load %arg6[%get3A_133, %get3A_134] {strides = array<i32>} : memref<64x768xf32, #tpu.memory_space<vmem>>, vector<1x16xf32>,
        %get3A_136 = vector.shape_cast %get3A_135 : vector<1x16xf32> to vector<16xf32>
        %mul3A_137 = arith.mulf %get3A_114, %get3A_136 : vector<16xf32>
        %add3A_138 = arith.addf %scan3A_106, %mul3A_137 : vector<16xf32>
        %add3A_139 = arith.constant 48 : i32
        %add3A_140 = arith.addi %multiple_of3A, %add3A_139 : i32
        %get3A_141 = arith.index_cast %scan3A_103 : i32 to index
        %get3A_142 = arith.index_cast %add3A_140 : i32 to index
        %get3A_143 = tpu.vector_load %arg6[%get3A_141, %get3A_142] {strides = array<i32>} : memref<64x768xf32, #tpu.memory_space<vmem>>, vector<1x16xf32>,
        %get3A_144 = vector.shape_cast %get3A_143 : vector<1x16xf32> to vector<16xf32>
        %mul3A_145 = arith.mulf %get3A_114, %get3A_144 : vector<16xf32>
        %add3A_146 = arith.addf %scan3A_107, %mul3A_145 : vector<16xf32>
        %add3A_147 = arith.constant 64 : i32
        %add3A_148 = arith.addi %multiple_of3A, %add3A_147 : i32
        %get3A_149 = arith.index_cast %scan3A_103 : i32 to index
        %get3A_150 = arith.index_cast %add3A_148 : i32 to index
        %get3A_151 = tpu.vector_load %arg6[%get3A_149, %get3A_150] {strides = array<i32>} : memref<64x768xf32, #tpu.memory_space<vmem>>, vector<1x16xf32>,
        %get3A_152 = vector.shape_cast %get3A_151 : vector<1x16xf32> to vector<16xf32>
        %mul3A_153 = arith.mulf %get3A_114, %get3A_152 : vector<16xf32>
        %add3A_154 = arith.addf %scan3A_108, %mul3A_153 : vector<16xf32>
        %add3A_155 = arith.constant 80 : i32
        %add3A_156 = arith.addi %multiple_of3A, %add3A_155 : i32
        %get3A_157 = arith.index_cast %scan3A_103 : i32 to index
        %get3A_158 = arith.index_cast %add3A_156 : i32 to index
        %get3A_159 = tpu.vector_load %arg6[%get3A_157, %get3A_158] {strides = array<i32>} : memref<64x768xf32, #tpu.memory_space<vmem>>, vector<1x16xf32>,
        %get3A_160 = vector.shape_cast %get3A_159 : vector<1x16xf32> to vector<16xf32>
        %mul3A_161 = arith.mulf %get3A_114, %get3A_160 : vector<16xf32>
        %add3A_162 = arith.addf %scan3A_109, %mul3A_161 : vector<16xf32>
        %add3A_163 = arith.constant 96 : i32
        %add3A_164 = arith.addi %multiple_of3A, %add3A_163 : i32
        %get3A_165 = arith.index_cast %scan3A_103 : i32 to index
        %get3A_166 = arith.index_cast %add3A_164 : i32 to index
        %get3A_167 = tpu.vector_load %arg6[%get3A_165, %get3A_166] {strides = array<i32>} : memref<64x768xf32, #tpu.memory_space<vmem>>, vector<1x16xf32>,
        %get3A_168 = vector.shape_cast %get3A_167 : vector<1x16xf32> to vector<16xf32>
        %mul3A_169 = arith.mulf %get3A_114, %get3A_168 : vector<16xf32>
        %add3A_170 = arith.addf %scan3A_110, %mul3A_169 : vector<16xf32>
        %add3A_171 = arith.constant 112 : i32
        %add3A_172 = arith.addi %multiple_of3A, %add3A_171 : i32
        %get3A_173 = arith.index_cast %scan3A_103 : i32 to index
        %get3A_174 = arith.index_cast %add3A_172 : i32 to index
        %get3A_175 = tpu.vector_load %arg6[%get3A_173, %get3A_174] {strides = array<i32>} : memref<64x768xf32, #tpu.memory_space<vmem>>, vector<1x16xf32>,
        %get3A_176 = vector.shape_cast %get3A_175 : vector<1x16xf32> to vector<16xf32>
        %mul3A_177 = arith.mulf %get3A_114, %get3A_176 : vector<16xf32>
        %add3A_178 = arith.addf %scan3A_111, %mul3A_177 : vector<16xf32>
        scf.yield %add3A_122, %add3A_130, %add3A_138, %add3A_146, %add3A_154, %add3A_162, %add3A_170, %add3A_178 : vector<16xf32>, vector<16xf32>, vector<16xf32>, vector<16xf32>, vector<16xf32>, vector<16xf32>, vector<16xf32>, vector<16xf32>
      }
      %scan3A_39 = arith.constant 64 : i32
      %add3A_40 = arith.constant 768 : i32
      %add3A_41 = arith.addi %add3A_40, %multiple_of3A : i32
      %add3A_42 = arith.constant 0 : i32
      %add3A_43 = arith.addi %add3A_41, %add3A_42 : i32
      %swap3A = arith.index_cast %add3A_43 : i32 to index
      %swap3A_44 = tpu.vector_load %arg8[%swap3A] {strides = array<i32>} : memref<1536xf32, #tpu.memory_space<vmem>>, vector<16xf32>,
      %swap3A_45 = vector.shape_cast %swap3A_44 : vector<16xf32> to vector<16xf32>
      %swap3A_46 = vector.shape_cast %scan3A_38#0 : vector<16xf32> to vector<16xf32>
      tpu.vector_store %arg8[%swap3A], %swap3A_46 {strides = array<i32>} : memref<1536xf32, #tpu.memory_space<vmem>>, vector<16xf32>,
      %add3A_47 = arith.constant 768 : i32
      %add3A_48 = arith.addi %add3A_47, %multiple_of3A : i32
      %add3A_49 = arith.constant 16 : i32
      %add3A_50 = arith.addi %add3A_48, %add3A_49 : i32
      %swap3A_51 = arith.index_cast %add3A_50 : i32 to index
      %swap3A_52 = tpu.vector_load %arg8[%swap3A_51] {strides = array<i32>} : memref<1536xf32, #tpu.memory_space<vmem>>, vector<16xf32>,
      %swap3A_53 = vector.shape_cast %swap3A_52 : vector<16xf32> to vector<16xf32>
      %swap3A_54 = vector.shape_cast %scan3A_38#1 : vector<16xf32> to vector<16xf32>
      tpu.vector_store %arg8[%swap3A_51], %swap3A_54 {strides = array<i32>} : memref<1536xf32, #tpu.memory_space<vmem>>, vector<16xf32>,
      %add3A_55 = arith.constant 768 : i32
      %add3A_56 = arith.addi %add3A_55, %multiple_of3A : i32
      %add3A_57 = arith.constant 32 : i32
      %add3A_58 = arith.addi %add3A_56, %add3A_57 : i32
      %swap3A_59 = arith.index_cast %add3A_58 : i32 to index
      %swap3A_60 = tpu.vector_load %arg8[%swap3A_59] {strides = array<i32>} : memref<1536xf32, #tpu.memory_space<vmem>>, vector<16xf32>,
      %swap3A_61 = vector.shape_cast %swap3A_60 : vector<16xf32> to vector<16xf32>
      %swap3A_62 = vector.shape_cast %scan3A_38#2 : vector<16xf32> to vector<16xf32>
      tpu.vector_store %arg8[%swap3A_59], %swap3A_62 {strides = array<i32>} : memref<1536xf32, #tpu.memory_space<vmem>>, vector<16xf32>,
      %add3A_63 = arith.constant 768 : i32
      %add3A_64 = arith.addi %add3A_63, %multiple_of3A : i32
      %add3A_65 = arith.constant 48 : i32
      %add3A_66 = arith.addi %add3A_64, %add3A_65 : i32
      %swap3A_67 = arith.index_cast %add3A_66 : i32 to index
      %swap3A_68 = tpu.vector_load %arg8[%swap3A_67] {strides = array<i32>} : memref<1536xf32, #tpu.memory_space<vmem>>, vector<16xf32>,
      %swap3A_69 = vector.shape_cast %swap3A_68 : vector<16xf32> to vector<16xf32>
      %swap3A_70 = vector.shape_cast %scan3A_38#3 : vector<16xf32> to vector<16xf32>
      tpu.vector_store %arg8[%swap3A_67], %swap3A_70 {strides = array<i32>} : memref<1536xf32, #tpu.memory_space<vmem>>, vector<16xf32>,
      %add3A_71 = arith.constant 768 : i32
      %add3A_72 = arith.addi %add3A_71, %multiple_of3A : i32
      %add3A_73 = arith.constant 64 : i32
      %add3A_74 = arith.addi %add3A_72, %add3A_73 : i32
      %swap3A_75 = arith.index_cast %add3A_74 : i32 to index
      %swap3A_76 = tpu.vector_load %arg8[%swap3A_75] {strides = array<i32>} : memref<1536xf32, #tpu.memory_space<vmem>>, vector<16xf32>,
      %swap3A_77 = vector.shape_cast %swap3A_76 : vector<16xf32> to vector<16xf32>
      %swap3A_78 = vector.shape_cast %scan3A_38#4 : vector<16xf32> to vector<16xf32>
      tpu.vector_store %arg8[%swap3A_75], %swap3A_78 {strides = array<i32>} : memref<1536xf32, #tpu.memory_space<vmem>>, vector<16xf32>,
      %add3A_79 = arith.constant 768 : i32
      %add3A_80 = arith.addi %add3A_79, %multiple_of3A : i32
      %add3A_81 = arith.constant 80 : i32
      %add3A_82 = arith.addi %add3A_80, %add3A_81 : i32
      %swap3A_83 = arith.index_cast %add3A_82 : i32 to index
      %swap3A_84 = tpu.vector_load %arg8[%swap3A_83] {strides = array<i32>} : memref<1536xf32, #tpu.memory_space<vmem>>, vector<16xf32>,
      %swap3A_85 = vector.shape_cast %swap3A_84 : vector<16xf32> to vector<16xf32>
      %swap3A_86 = vector.shape_cast %scan3A_38#5 : vector<16xf32> to vector<16xf32>
      tpu.vector_store %arg8[%swap3A_83], %swap3A_86 {strides = array<i32>} : memref<1536xf32, #tpu.memory_space<vmem>>, vector<16xf32>,
      %add3A_87 = arith.constant 768 : i32
      %add3A_88 = arith.addi %add3A_87, %multiple_of3A : i32
      %add3A_89 = arith.constant 96 : i32
      %add3A_90 = arith.addi %add3A_88, %add3A_89 : i32
      %swap3A_91 = arith.index_cast %add3A_90 : i32 to index
      %swap3A_92 = tpu.vector_load %arg8[%swap3A_91] {strides = array<i32>} : memref<1536xf32, #tpu.memory_space<vmem>>, vector<16xf32>,
      %swap3A_93 = vector.shape_cast %swap3A_92 : vector<16xf32> to vector<16xf32>
      %swap3A_94 = vector.shape_cast %scan3A_38#6 : vector<16xf32> to vector<16xf32>
      tpu.vector_store %arg8[%swap3A_91], %swap3A_94 {strides = array<i32>} : memref<1536xf32, #tpu.memory_space<vmem>>, vector<16xf32>,
      %add3A_95 = arith.constant 768 : i32
      %add3A_96 = arith.addi %add3A_95, %multiple_of3A : i32
      %add3A_97 = arith.constant 112 : i32
      %add3A_98 = arith.addi %add3A_96, %add3A_97 : i32
      %swap3A_99 = arith.index_cast %add3A_98 : i32 to index
      %swap3A_100 = tpu.vector_load %arg8[%swap3A_99] {strides = array<i32>} : memref<1536xf32, #tpu.memory_space<vmem>>, vector<16xf32>,
      %swap3A_101 = vector.shape_cast %swap3A_100 : vector<16xf32> to vector<16xf32>
      %swap3A_102 = vector.shape_cast %scan3A_38#7 : vector<16xf32> to vector<16xf32>
      tpu.vector_store %arg8[%swap3A_99], %swap3A_102 {strides = array<i32>} : memref<1536xf32, #tpu.memory_space<vmem>>, vector<16xf32>,
    }
    %scan3A_29 = arith.constant 6 : i32
    "tpu.region"() ({
      %run_scoped3A = tpu.sem_alloc : memref<!tpu.dma_semaphore, #tpu.memory_space<semaphore_mem>>
      %dma_start3A_30 = tpu.memref_slice %arg4[%mul3A_2] : memref<49152xf32, #tpu.memory_space<hbm>> -> memref<1536xf32, #tpu.memory_space<hbm>>
      %dma_start3A_31 = tpu.memref_slice %arg4[%mul3A_2] : memref<49152xf32, #tpu.memory_space<hbm>> -> memref<1536xf32, #tpu.memory_space<hbm>>
      tpu.enqueue_dma source(%arg8 : memref<1536xf32, #tpu.memory_space<vmem>>) target(%dma_start3A_31 : memref<1536xf32, #tpu.memory_space<hbm>>) target_semaphore(%run_scoped3A : memref<!tpu.dma_semaphore, #tpu.memory_space<semaphore_mem>>)
      %dma_wait3A_32 = tpu.memref_slice %arg4[%mul3A_2] : memref<49152xf32, #tpu.memory_space<hbm>> -> memref<1536xf32, #tpu.memory_space<hbm>>
      %dma_wait3A_33 = tpu.memref_slice %arg4[%mul3A_2] : memref<49152xf32, #tpu.memory_space<hbm>> -> memref<1536xf32, #tpu.memory_space<hbm>>
      tpu.wait_dma2 semaphore(%run_scoped3A : memref<!tpu.dma_semaphore, #tpu.memory_space<semaphore_mem>>) src(%arg8 : memref<1536xf32, #tpu.memory_space<vmem>>) dst(%dma_wait3A_33 : memref<1536xf32, #tpu.memory_space<hbm>>)
      tpu.yield
    }) : () -> ()
    return
  }
}

module attributes {stable_mosaic.version = 14 : i64} {
  func.func @_tc_softmax(%arg0: memref<1x49152xf32, #tpu.memory_space<vmem>>, %arg1: memref<1x55296xf32, #tpu.memory_space<vmem>>, %arg2: memref<1x100000xf32, #tpu.memory_space<vmem>>) attributes {dimension_semantics = [], scalar_prefetch = 0 : i64, scratch_operands = 0 : i64, tpu.core_type = #tpu.core_type<tc>} {
    %iota3A = tpu.iota {dimensions = array<i32: 1>} : vector<1x55296xi32>
    %add3A = arith.constant 49152 : i32
    %add3A_0 = vector.broadcast %add3A : i32 to vector<1x55296xi32>
    %add3A_1 = arith.addi %iota3A, %add3A_0 : vector<1x55296xi32>
    %get3A = arith.constant 0 : index
    %get3A_2 = arith.constant 0 : index
    %get3A_3 = vector.load %arg0[%get3A, %get3A_2] : memref<1x49152xf32, #tpu.memory_space<vmem>>, vector<1x49152xf32>
    %lt3A = arith.constant 100000 : i32
    %lt3A_4 = vector.broadcast %lt3A : i32 to vector<1x55296xi32>
    %lt3A_5 = arith.cmpi slt, %add3A_1, %lt3A_4 : vector<1x55296xi32>
    %get3A_6 = arith.constant 0 : index
    %get3A_7 = arith.constant 0 : index
    %get3A_8 = vector.load %arg1[%get3A_6, %get3A_7] : memref<1x55296xf32, #tpu.memory_space<vmem>>, vector<1x55296xf32>
    %jit3A = arith.constant 0xFF800000 : f32
    %broadcast_in_dim3A = vector.broadcast %jit3A : f32 to vector<1x55296xf32>
    %select_n3A = arith.select %lt3A_5, %get3A_8, %broadcast_in_dim3A : vector<1x55296xi1>, vector<1x55296xf32>
    %reduce_max3A = vector.shape_cast %get3A_3 : vector<1x49152xf32> to vector<1x1x49152xf32>
    %reduce_max3A_9 = arith.constant dense<0xFF800000> : vector<1xf32>
    %reduce_max3A_10 = vector.multi_reduction <maximumf>, %reduce_max3A, %reduce_max3A_9 [1, 2] : vector<1x1x49152xf32> to vector<1xf32>
    %reduce_max3A_11 = vector.shape_cast %reduce_max3A_10 : vector<1xf32> to vector<1x1x1xf32>
    %reduce_max3A_12 = vector.extract %reduce_max3A_11[0, 0, 0] : f32 from vector<1x1x1xf32>
    %reduce_max3A_13 = vector.shape_cast %select_n3A : vector<1x55296xf32> to vector<1x1x55296xf32>
    %reduce_max3A_14 = arith.constant dense<0xFF800000> : vector<1xf32>
    %reduce_max3A_15 = vector.multi_reduction <maximumf>, %reduce_max3A_13, %reduce_max3A_14 [1, 2] : vector<1x1x55296xf32> to vector<1xf32>
    %reduce_max3A_16 = vector.shape_cast %reduce_max3A_15 : vector<1xf32> to vector<1x1x1xf32>
    %reduce_max3A_17 = vector.extract %reduce_max3A_16[0, 0, 0] : f32 from vector<1x1x1xf32>
    %max3A = arith.maximumf %reduce_max3A_12, %reduce_max3A_17 : f32
    %sub3A = vector.broadcast %max3A : f32 to vector<1x49152xf32>
    %sub3A_18 = arith.subf %get3A_3, %sub3A : vector<1x49152xf32>
    %exp3A = math.exp %sub3A_18 : vector<1x49152xf32>
    %sub3A_19 = vector.broadcast %max3A : f32 to vector<1x55296xf32>
    %sub3A_20 = arith.subf %select_n3A, %sub3A_19 : vector<1x55296xf32>
    %exp3A_21 = math.exp %sub3A_20 : vector<1x55296xf32>
    %reduce_sum3A = vector.shape_cast %exp3A : vector<1x49152xf32> to vector<1x1x49152xf32>
    %reduce_sum3A_22 = arith.constant dense<0.000000e+00> : vector<1xf32>
    %reduce_sum3A_23 = vector.multi_reduction <add>, %reduce_sum3A, %reduce_sum3A_22 [1, 2] : vector<1x1x49152xf32> to vector<1xf32>
    %reduce_sum3A_24 = vector.shape_cast %reduce_sum3A_23 : vector<1xf32> to vector<1x1x1xf32>
    %reduce_sum3A_25 = vector.extract %reduce_sum3A_24[0, 0, 0] : f32 from vector<1x1x1xf32>
    %reduce_sum3A_26 = vector.shape_cast %exp3A_21 : vector<1x55296xf32> to vector<1x1x55296xf32>
    %reduce_sum3A_27 = arith.constant dense<0.000000e+00> : vector<1xf32>
    %reduce_sum3A_28 = vector.multi_reduction <add>, %reduce_sum3A_26, %reduce_sum3A_27 [1, 2] : vector<1x1x55296xf32> to vector<1xf32>
    %reduce_sum3A_29 = vector.shape_cast %reduce_sum3A_28 : vector<1xf32> to vector<1x1x1xf32>
    %reduce_sum3A_30 = vector.extract %reduce_sum3A_29[0, 0, 0] : f32 from vector<1x1x1xf32>
    %add3A_31 = arith.addf %reduce_sum3A_25, %reduce_sum3A_30 : f32
    %div3A = arith.constant 1.000000e+00 : f32
    %div3A_32 = arith.divf %div3A, %add3A_31 : f32
    %mul3A = vector.broadcast %div3A_32 : f32 to vector<1x49152xf32>
    %mul3A_33 = arith.mulf %exp3A, %mul3A : vector<1x49152xf32>
    %swap3A = arith.constant 0 : index
    %swap3A_34 = arith.constant 0 : index
    %swap3A_35 = vector.load %arg2[%swap3A, %swap3A_34] : memref<1x100000xf32, #tpu.memory_space<vmem>>, vector<1x49152xf32>
    tpu.vector_store %arg2[%swap3A, %swap3A_34], %mul3A_33 {strides = array<i32>} : memref<1x100000xf32, #tpu.memory_space<vmem>>, vector<1x49152xf32>,
    %mul3A_36 = vector.broadcast %div3A_32 : f32 to vector<1x55296xf32>
    %mul3A_37 = arith.mulf %exp3A_21, %mul3A_36 : vector<1x55296xf32>
    %slice3A = vector.extract_strided_slice %mul3A_37 {offsets = [0, 0], sizes = [1, 50848], strides = [1, 1]} : vector<1x55296xf32> to vector<1x50848xf32>
    %swap3A_38 = arith.constant 0 : index
    %swap3A_39 = arith.constant 49152 : index
    %swap3A_40 = vector.load %arg2[%swap3A_38, %swap3A_39] : memref<1x100000xf32, #tpu.memory_space<vmem>>, vector<1x50848xf32>
    tpu.vector_store %arg2[%swap3A_38, %swap3A_39], %slice3A {strides = array<i32>} : memref<1x100000xf32, #tpu.memory_space<vmem>>, vector<1x50848xf32>,
    return
  }
}

module attributes {stable_mosaic.version = 14 : i64} {
  func.func @_tc_matvec(%arg0: i32, %arg1: memref<1x64xf32, #tpu.memory_space<vmem>>, %arg2: memref<64x10xf32, #tpu.memory_space<vmem>>, %arg3: memref<64x6144xf32, #tpu.memory_space<vmem>>, %arg4: memref<1x10xf32, #tpu.memory_space<vmem>>, %arg5: memref<1x6144xf32, #tpu.memory_space<vmem>>) attributes {dimension_semantics = [#tpu.dimension_semantics<arbitrary>], iteration_bounds = array<i64: 9>, scalar_prefetch = 0 : i64, scratch_operands = 0 : i64, tpu.core_type = #tpu.core_type<tc>, window_params = [{pipeline_mode = #tpu.pipeline_mode<synchronous>, transform_indices = @transform_0, window_bounds = array<i64: 1, 64>}, {pipeline_mode = #tpu.pipeline_mode<synchronous>, transform_indices = @transform_1, window_bounds = array<i64: 64, 10>}, {transform_indices = @transform_2, window_bounds = array<i64: 64, 6144>}, {pipeline_mode = #tpu.pipeline_mode<synchronous>, transform_indices = @transform_3, window_bounds = array<i64: 1, 10>}, {transform_indices = @transform_4, window_bounds = array<i64: 1, 6144>}]} {
    %get3A = arith.constant 0 : index
    %get3A_0 = arith.constant 0 : index
    %get3A_1 = vector.load %arg1[%get3A, %get3A_0] : memref<1x64xf32, #tpu.memory_space<vmem>>, vector<1x64xf32>
    %get3A_2 = arith.constant 0 : index
    %get3A_3 = arith.constant 0 : index
    %get3A_4 = vector.load %arg3[%get3A_2, %get3A_3] : memref<64x6144xf32, #tpu.memory_space<vmem>>, vector<64x6144xf32>
    %dot_general3A = arith.constant dense<0.000000e+00> : vector<1x6144xf32>
    %dot_general3A_5 = tpu.matmul %get3A_1, %get3A_4, %dot_general3A {dimension_numbers = #tpu.dot_dimension_numbers<[1], [0], [0], [1], [0, 0, 1, 1], [], []>, transpose_lhs_hint = false} : vector<1x64xf32>, vector<64x6144xf32>, vector<1x6144xf32> -> vector<1x6144xf32>
    %swap3A = arith.constant 0 : index
    %swap3A_6 = arith.constant 0 : index
    %swap3A_7 = vector.load %arg5[%swap3A, %swap3A_6] : memref<1x6144xf32, #tpu.memory_space<vmem>>, vector<1x6144xf32>
    tpu.vector_store %arg5[%swap3A, %swap3A_6], %dot_general3A_5 {strides = array<i32>} : memref<1x6144xf32, #tpu.memory_space<vmem>>, vector<1x6144xf32>,
    %eq3A = arith.constant 8 : i32
    %eq3A_8 = arith.cmpi eq, %arg0, %eq3A : i32
    %convert_element_type3A = arith.extui %eq3A_8 : i1 to i32
    %cond3A = arith.constant 0 : i32
    %cond3A_9 = arith.cmpi ne, %convert_element_type3A, %cond3A : i32
    scf.if %cond3A_9 {
      %get3A_10 = arith.constant 0 : index
      %get3A_11 = arith.constant 0 : index
      %get3A_12 = vector.load %arg2[%get3A_10, %get3A_11] : memref<64x10xf32, #tpu.memory_space<vmem>>, vector<64x10xf32>
      %dot_general3A_13 = arith.constant dense<0.000000e+00> : vector<1x10xf32>
      %dot_general3A_14 = tpu.matmul %get3A_1, %get3A_12, %dot_general3A_13 {dimension_numbers = #tpu.dot_dimension_numbers<[1], [0], [0], [1], [0, 0, 1, 1], [], []>, transpose_lhs_hint = false} : vector<1x64xf32>, vector<64x10xf32>, vector<1x10xf32> -> vector<1x10xf32>
      %swap3A_15 = arith.constant 0 : index
      %swap3A_16 = arith.constant 0 : index
      %swap3A_17 = vector.load %arg4[%swap3A_15, %swap3A_16] : memref<1x10xf32, #tpu.memory_space<vmem>>, vector<1x10xf32>
      tpu.vector_store %arg4[%swap3A_15, %swap3A_16], %dot_general3A_14 {strides = array<i32>} : memref<1x10xf32, #tpu.memory_space<vmem>>, vector<1x10xf32>,
    } else {
    }
    return
  }
  func.func @transform_0(%arg0: i32) -> (i32, i32) {
    %c0_i32 = arith.constant 0 : i32
    %c0_i32_0 = arith.constant 0 : i32
    %c0_i32_1 = arith.constant 0 : i32
    return %c0_i32, %c0_i32_0 : i32, i32
  }
  func.func @transform_1(%arg0: i32) -> (i32, i32) {
    %c0_i32 = arith.constant 0 : i32
    %c0_i32_0 = arith.constant 0 : i32
    %c0_i32_1 = arith.constant 0 : i32
    return %c0_i32, %c0_i32_0 : i32, i32
  }
  func.func @transform_2(%arg0: i32) -> (i32, i32) {
    %add3A = arith.constant 8 : i32
    %add3A_0 = arith.addi %arg0, %add3A : i32
    %c0_i32 = arith.constant 0 : i32
    %c0_i32_1 = arith.constant 0 : i32
    return %c0_i32, %add3A_0 : i32, i32
  }
  func.func @transform_3(%arg0: i32) -> (i32, i32) {
    %c0_i32 = arith.constant 0 : i32
    %c0_i32_0 = arith.constant 0 : i32
    %c0_i32_1 = arith.constant 0 : i32
    return %c0_i32, %c0_i32_0 : i32, i32
  }
  func.func @transform_4(%arg0: i32) -> (i32, i32) {
    %c0_i32 = arith.constant 0 : i32
    %c0_i32_0 = arith.constant 0 : i32
    return %c0_i32, %arg0 : i32, i32
  }
}

</mosaic_0001>

<sc_bundles>
// kernel: kernel.5.cloned.1.call-start
scs
__scs_entry_jumppad:
0x0: {  	(pc) =	sbr.rel $0x88, $3  }
0x1: {  	(tag) =	ssettag $0x0;
	lr =	simm.s32 $0x1  }
0x2: {  	[smem:$0x3F9E] =	sst lr;
	_ =	strace $0xD0000000  }
0x3: {  	_ = 	snop  }
0x4: {  	_ = 	snop  }
0x5: {  	_ = 	snop  }
0x6: {  	_ = 	snop  }
0x7: {  	_ = 	snop  }
__scs_overlays_trampoline_lowered:
0x8: {  	[smem:$0x3FAD] =	sst s0  }
0x9: {  	[smem:$0x3FAE] =	sst s1  }
0xa: {  	[smem:$0x3FAF] =	sst s2  }
0xb: {  	[smem:$0x3FB0] =	sst s3  }
0xc: {  	[smem:$0x3FB1] =	sst s4  }
0xd: {  	[smem:$0x3FB2] =	sst s5  }
0xe: {  	[smem:$0x3FB3] =	sst s6  }
0xf: {  	[smem:$0x3FB4] =	sst s7  }
0x10: {  	[smem:$0x3FB5] =	sst s8  }
0x11: {  	[smem:$0x3FB6] =	sst s9;
	s0 =	simm.s32 @!p0 $0x0  }
0x12: {  	s1 =	sld [smem:$0x3F9C];
	s0 =	simm.s32 @p0 $0x1  }
0x13: {  	[smem:$0x3FB7] =	sst s0;
	s0 =	simm.s32 @!p1 $0x0  }
0x14: {  	s2 =	sld [smem:$0x3F9B];
	s0 =	simm.s32 @p1 $0x1  }
0x15: {  	[smem:$0x3FB8] =	sst s0;
	s0 =	simm.s32 @!p2 $0x0  }
0x16: {  	s3 =	sld [smem:$0x3FDB];
	s0 =	simm.s32 @p2 $0x1  }
0x17: {  	s4 =	simm.s32 $0x1BF5;
	[smem:$0x3FBA] =	sst s0  }
0x18: {  	s0 =	sld [smem:$0x3F9D];
	_ =	swait.ge [sflag:s4], $0x0  }
0x19: {  	s7 =	sld [smem:$0x3F9E]  }
0x1a: {  	s8 =	sadd.s32 $0xFFFFE003, lr  }
0x1b: {  	s9 =	sadd.s32 $0xFFFFFEF7, lr;
	s5 =	simm.s32 $0xFFFFFFFF;
	p2 =	slt.u32 s8, $0xFFFFF086  }
0x1c: {  	p1 =	slt.u32 s9, $0xF7A;
	s5 =	simm.s32 @!p2 $0x0  }
0x1d: {  	s5 =	simm.s32 @p1 $0x1;
	p0 =	seq.s32 s7, s2  }
0x1e: {  	s7 =	smul.u32 @!p0 $0xF7A, s2;
	p2 =	seq.s32 @!p0 s5, $0x0  }
0x1f: {  	s9 =	smul.u32 $0xF7A, s1;
	s8 =	simm.s32 @!p0 $0x1BF5;
	p2 =	por !p2, p0  }
0x20: {  	[sflag:s8] =	ssyncset.s32 @!p0 $0xFFFFF086;
	s6 =	sadd.s32 @!p0 s3, s7;
	s7 =	simm.s32 @!p0 $0x108  }
0x21: {  	s3 =	sadd.s32 s3, s9;
	s6 =	sadd.s32 @!p0 $0x88, s6;
	s7 =	simm.s32 @p2 $0x1082  }
0x22: {  	[simem:s7], [sflag:s8] =	dma.local @!p0 [hbm:s6], $0xF7A  }
0x23: {  	s9 =	sor.u32 $0xD0000000, s2;
	s6 =	simm.s32 $0x108;
	_ =	swait.ge @!p0 [sflag:s8], $0x0  }
0x24: {  	s3 =	sadd.s32 $0x88, s3;
	s6 =	simm.s32 @!p1 $0x1082;
	[sflag:s4] =	ssyncset.s32 $0xFFFFF086  }
0x25: {  	[simem:s6], [sflag:s4] =	dma.local [hbm:s3], $0xF7A  }
0x26: {  	[smem:$0x3F9E] =	sst s1;
	(tag) =	ssettag s2;
	_ =	strace s9  }
0x27: {  	s1 =	sld [smem:$0x3FAE]  }
0x28: {  	s2 =	sld [smem:$0x3FAF]  }
0x29: {  	s4 =	sld [smem:$0x3FB1]  }
0x2a: {  	p0 =	seq.s32 s5, $0x0;
	s5 =	sld [smem:$0x3FB2]  }
0x2b: {  	s6 =	sld [smem:$0x3FB3]  }
0x2c: {  	s7 =	sld [smem:$0x3FB4]  }
0x2d: {  	s3 =	simm.s32 $0x108;
	s8 =	sld [smem:$0x3FB5]  }
0x2e: {  	s3 =	simm.s32 @!p0 $0x1082;
	s9 =	sld [smem:$0x3FB6]  }
0x2f: {  	lr =	sadd.s32 s0, s3;
	s0 =	sld [smem:$0x3FAD]  }
0x30: {  	s3 =	sld [smem:$0x3FB0]  }
0x31: {  	[smem:$0x3FB9] =	sst s10  }
0x32: {  	s10 =	sld [smem:$0x3FB7];
	_ =	sdelay $0x3  }
0x33: {  	p0 =	seq.s32 s10, $0x1;
	s10 =	sld [smem:$0x3FB9];
	_ =	sdelay $0x3  }
0x34: {  	[smem:$0x3FB9] =	sst s10  }
0x35: {  	s10 =	sld [smem:$0x3FB8];
	_ =	sdelay $0x3  }
0x36: {  	p1 =	seq.s32 s10, $0x1;
	s10 =	sld [smem:$0x3FB9];
	_ =	sdelay $0x3  }
0x37: {  	[smem:$0x3FB9] =	sst s10  }
0x38: {  	s10 =	sld [smem:$0x3FBA]  }
0x39: {  	_ = 	snop;
	(pc) =	sbr.ind lr, $3  }
0x3a: {  	_ = 	snop  }
0x3b: {  	_ = 	snop  }
0x3c: {  	p2 =	seq.s32 s10, $0x1;
	s10 =	sld [smem:$0x3FB9]  }
0x3d: {  	_ =	shalt  }
0x3e: {  	_ =	shalt  }
0x3f: {  	_ =	shalt  }
0x40: {  	_ =	shalt  }
0x41: {  	_ =	shalt  }
0x42: {  	_ =	shalt  }
0x43: {  	_ =	shalt  }
0x44: {  	_ =	shalt  }
0x45: {  	_ =	shalt  }
0x46: {  	_ =	shalt  }
0x47: {  	_ =	shalt  }
0x48: {  	_ =	shalt  }
0x49: {  	_ =	shalt  }
0x4a: {  	_ =	shalt  }
0x4b: {  	_ =	shalt  }
0x4c: {  	_ =	shalt  }
0x4d: {  	_ =	shalt  }
0x4e: {  	_ =	shalt  }
0x4f: {  	_ =	shalt  }
0x50: {  	_ =	shalt  }
0x51: {  	_ =	shalt  }
0x52: {  	_ =	shalt  }
0x53: {  	_ =	shalt  }
0x54: {  	_ =	shalt  }
0x55: {  	_ =	shalt  }
0x56: {  	_ =	shalt  }
0x57: {  	_ =	shalt  }
0x58: {  	_ =	shalt  }
0x59: {  	_ =	shalt  }
0x5a: {  	_ =	shalt  }
0x5b: {  	_ =	shalt  }
0x5c: {  	_ =	shalt  }
0x5d: {  	_ =	shalt  }
0x5e: {  	_ =	shalt  }
0x5f: {  	_ =	shalt  }
0x60: {  	_ =	shalt  }
0x61: {  	_ =	shalt  }
0x62: {  	_ =	shalt  }
0x63: {  	_ =	shalt  }
0x64: {  	_ =	shalt  }
0x65: {  	_ =	shalt  }
0x66: {  	_ =	shalt  }
0x67: {  	_ =	shalt  }
0x68: {  	_ =	shalt  }
0x69: {  	_ =	shalt  }
0x6a: {  	_ =	shalt  }
0x6b: {  	_ =	shalt  }
0x6c: {  	_ =	shalt  }
0x6d: {  	_ =	shalt  }
0x6e: {  	_ =	shalt  }
0x6f: {  	_ =	shalt  }
0x70: {  	_ =	shalt  }
0x71: {  	_ =	shalt  }
0x72: {  	_ =	shalt  }
0x73: {  	_ =	shalt  }
0x74: {  	_ =	shalt  }
0x75: {  	_ =	shalt  }
0x76: {  	_ =	shalt  }
0x77: {  	_ =	shalt  }
0x78: {  	_ =	shalt  }
0x79: {  	_ =	shalt  }
0x7a: {  	_ =	shalt  }
0x7b: {  	_ =	shalt  }
0x7c: {  	_ =	shalt  }
0x7d: {  	_ =	shalt  }
0x7e: {  	_ =	shalt  }
0x7f: {  	_ =	shalt  }
0x80: {  	_ =	shalt  }
0x81: {  	_ =	shalt  }
0x82: {  	_ =	shalt  }
0x83: {  	_ =	shalt  }
0x84: {  	_ =	shalt  }
0x85: {  	_ =	shalt  }
0x86: {  	_ =	shalt  }
0x87: {  	_ =	shalt  }
.Lfunc_end0:
.L_simem_size_0:
called_computation_lowered:
.L_overlay_start_0:
0x88: {  	s2 =	sld [smem:$0x3FD9]  }
0x89: {  	s3 =	sld [smem:$0x3FFE];
	_ =	sdelay $0x1  }
0x8a: {  	s1 =	srdreg.scid  }
0x8b: {  	s0 =	sand.u32 $0x1, s1  }
0x8c: {  	s14 =	sshll.u32 s0, $0xA;
	s2 =	sadd.s32 s3, s2  }
0x8d: {  	s2 =	sadd.s32 s2, s14  }
0x8e: {  	[smem:$0x3FC5] =	sst s2  }
0x8f: {  	_ = 	snop  }
0x90: {  	s2 =	sld [smem:$0x3FD0];
	_ =	sdelay $0x2  }
0x91: {  	s4 =	simm.s32 $0xA;
	s5 =	simm.s32 $0x10;
	s15 =	sld [smem:$0x3FC7]  }
0x92: {  	[smem:s5], [sflag:s4] =	dma.local [hbm:s2], $0x1  }
0x93: {  	_ =	swait.eq [sflag:s4], $0x1  }
0x94: {  	[sflag:s4] =	ssyncset.done $0x0  }
0x95: {  	[sflag:s4] =	ssyncadd.s32 $0xFFFFFFFF  }
0x96: {  	s16 =	sld [smem:$0x11];
	(tm) =	ssettm $0x1  }
0x97: {  	s17 =	sld [smem:$0x3FFB];
	_ =	sdelay $0x3  }
0x98: {  	_ =	strace s17  }
0x99: {  	s4 =	sld [smem:$0x3FFC];
	_ =	sdelay $0x3  }
0x9a: {  	_ =	strace s4  }
0x9b: {  	s4 =	sld [smem:$0x3FFD];
	_ =	sdelay $0x3  }
0x9c: {  	_ =	strace s4  }
0x9d: {  	_ =	strace $0x8FFFFFFF  }
0x9e: {  	s18 =	sld [smem:$0x3FDB];
	_ =	sdelay $0x1  }
0x9f: {  	s19 =	simm.s32 $_scs_section_size  }
0xa0: {  	s6 =	simm.s32 $_size__tile_overlayer_lowered;
	s7 =	simm.s32 $_tile_overlayer_lowered  }
0xa1: {  	s22 =	simm.s32 $0x1BFF;
	s21 =	sshll.u32 s7, $0x1;
	s4 =	sadd.s32 s19, s18  }
0xa2: {  	s8 =	simm.s32 $0x0;
	s20 =	sshll.u32 s6, $0x1;
	s6 =	sadd.s32 s21, s4  }
0xa3: {  	[timem:s8], [sflag:s22] =	dma.local [hbm:s6], s20  }
0xa4: {  	_ =	swait.ge [sflag:s22], s20  }
0xa5: {  	s5 =	ssub.s32 $0x0, s20;
	[sflag:s22] =	ssyncset.done $0x0  }
0xa6: {  	[sflag:s22] =	ssyncadd.s32 s5;
	_ =	sdelay $0x1  }
0xa7: {  	s23 =	simm.s32 $0x1B8B  }
0xa8: {  	_ =	swait.ge [sflag:s23], $0x1  }
0xa9: {  	[sflag:s23] =	ssyncset.done $0x0  }
0xaa: {  	s25 =	simm.s32 $0x1B8E;
	s24 =	sld [smem:$0x3FFE];
	[sflag:s23] =	ssyncadd.s32 $0xFFFFFFFF  }
0xab: {  	s26 =	simm.s32 $execute0_lowered;
	[smem:$0x3FD2] =	sst s25  }
0xac: {  	s6 =	sshll.u32 s26, $0x1;
	_ =	strace $0x80000046;
	[dreg:$0x1] =	wrdreg $0xFFFFFFFF  }
0xad: {  	s28 =	simm.s32 $_size_execute0_lowered;
	s4 =	sadd.s32 s4, s6;
	[dreg:$0x0] =	wrdreg $0x0  }
0xae: {  	s6 =	sshll.u32 s28, $0x1;
	[dreg:$0x2] =	wrdreg s4  }
0xaf: {  	[dreg:$0x3] =	wrdreg s6  }
0xb0: {  	[dreg:$0x4] =	wrdreg $0xC0  }
0xb1: {  	_ =	task [dreg:s8], $0x5FFFF  }
0xb2: {  	[dreg:$0x1] =	wrdreg $0xFFFFFFFF  }
0xb3: {  	[dreg:$0x0] =	wrdreg $0x60  }
0xb4: {  	[dreg:$0x2] =	wrdreg s15  }
0xb5: {  	[dreg:$0x3] =	wrdreg s24  }
0xb6: {  	[dreg:$0x4] =	wrdreg s16  }
0xb7: {  	[dreg:$0x5] =	wrdreg $0x9  }
0xb8: {  	_ =	task.clear_ibuf [dreg:s8], $0x6FFFF;
	_ =	strace $0x90000046  }
0xb9: {  	s29 =	simm.s32 $0x9;
	_ =	strace $0x80000048  }
0xba: {  	_ =	swait.ge [sflag:s29], $0x1  }
0xbb: {  	[sflag:s29] =	ssyncadd.s32 $0xFFFFFFFF  }
0xbc: {  	_ =	strace $0x90000048  }
0xbd: {  	_ =	sfence  }
0xbe: {  	s30 =	sld [smem:$0x0];
	_ =	sdelay $0x2  }
0xbf: {  	s31 =	sshll.u32 s1, $0xD;
	s1 =	sshrl.u32 s1, $0x2  }
0xc0: {  	s3 =	sand.u32 $0x4000, s31;
	s1 =	sadd.s32 s1, s30  }
0xc1: {  	s0 =	sor.u32 s3, s0;
	s1 =	sshll.u32 s1, $0x11  }
0xc2: {  	s0 =	sor.u32 s1, s0  }
0xc3: {  	s0 =	sadd.s32 $0x8F2B, s0  }
0xc4: {  	[sflag:s0] =	ssyncadd.remote.s32 $0x1  }
0xc5: {  	_ =	sfence.sel $0xFFFF  }
0xc6: {  	[dreg:$0x0] =	wrdreg $0xFFFFFFFF;
	(pc) =	sbr.abs _section_cstart, $3  }
0xc7: {  	[dreg:$0x1] =	wrdreg $0xFFFFFFFF  }
0xc8: {  	_ =	task.clear_ibuf [dreg:s8], $0x2FFFF;
	_ =	strace $0x9FFFFFFF  }
0xc9: {  	(tm) =	ssettm $0x7FFFFFFF  }
tec
execute0_lowered:
.L_overlay_start_1:
0x0: {  	(tag) =	ssettag $0x1  }
0x1: {  	s5 =	rddreg [dreg:$0x0]  }
0x2: {  	s3 =	rddreg [dreg:$0x1]  }
0x3: {  	s6 =	rddreg [dreg:$0x2]  }
0x4: {  	s0 =	rddreg [dreg:$0x3]  }
0x5: {  	s4 =	srdreg.scid;
	s1 =	stileid.u32;
	s2 =	simm.s32 $0x0  }
0x6: {  	s11 =	simm.s32 $0xC3800;
	s4 =	sand.u32 $0x1, s4;
	s7 =	sshll.u32 s1, $0x1  }
0x7: {  	s12 =	simm.s32 $0xC000;
	s13 =	simm.s32 $0x1;
	s7 =	sor.u32 s4, s7  }
0x8: {  	s14 =	simm.s32 $0x2;
	s15 =	simm.s32 $0x1A000;
	s8 =	smul.u32 $0x3000, s7  }
0x9: {  	s16 =	simm.s32 $0x0;
	s4 =	ssub.s32 $0x2, s4;
	s9 =	smul.u32 $0x600, s7  }
0xa: {  	[smem:$0x7FF] =	sst s2;
	s10 =	sshrl.u32 s4, $0x1;
	s7 =	smul.u32 $0xC0, s7  }
0xb: {  	s3 =	sadd.s32 $0xC00, s3;
	_ =	strace $0x80000047;
	s10 =	ssub.s32 s4, s10  }
0xc: {  	s8 =	sshrl.u32 s8, $0x3;
	s4 =	sadd.s32 s5, s9;
	s6 =	sadd.s32 s6, s7  }
0xd: {  	s7 =	smax.u32 s10, $0x1;
	s9 =	simm.s32 $0x3;
	s5 =	sadd.s32 s5, s8  }
0xe: {  	s10 =	simm.s32 $0x1800;
	s8 =	simm.s32 $0x18000;
	s5 =	sadd.s32 $0x300, s5  }
.LBB2_1:
0xf: {  	[tilespmem:s8], [sflag:$0x3] =	stream.linear.gather [hbm4b:s3+s2], $0x2000, $0x38;
	[tilespmem:$0x1A600] =	vst v63  }
0x10: {  	_ =	swait.ge [sflag:s9], $0x2000  }
0x11: {  	[sflag:s9] =	ssyncset.done $0x0  }
0x12: {  	[sflag:s9] =	ssyncadd.s32 $0xFFFFE000  }
0x13: {  	[tilespmem:s2], [sflag:$0x1] =	stream.strided.gather [hbm4b:s4+s10], $0xC000, s11, s10, $0x38;
	[tilespmem:$0x1A600] =	vst v63  }
0x14: {  	_ = 	snop  }
0x15: {  	[tilespmem:s12], [sflag:$0x2] =	stream.strided.gather [hbm4b:s5+s10], $0xC000, s11, s10, $0x38;
	[tilespmem:$0x1A600] =	vst v63  }
0x16: {  	_ =	swait.ge [sflag:s13], $0xC000  }
0x17: {  	[sflag:s13] =	ssyncset.done $0x0  }
0x18: {  	s17 =	simm.s32 $0x0;
	[sflag:s13] =	ssyncadd.s32 $0xFFFF4000  }
.LBB2_2:
0x19: {  	s18 =	simm.s32 $0x0  }
0x1a: {  	s19 =	smul.u32 $0x6000, s18  }
0x1b: {  	s29 =	sshll.u32 s17, $0xA  }
0x1c: {  	s20 =	simm.s32 $0x0;
	s18 =	sand.u32 $0x3FFFFC00, s29;
	s19 =	sshra.s32 s19, $0x2  }
0x1d: {  	s21 =	simm.s32 $0x18000;
	s20 =	sand.u32 $0x380, s20;
	s19 =	sadd.s32 s19, s18  }
0x1e: {  	v9 =	vld [tilespmem:s21+$0x0];
	s20 =	sadd.s32 s20, s19  }
0x1f: {  	v0 =	vld [tilespmem:s20+$0x70]  }
0x20: {  	v1 =	vld [tilespmem:s20+$0x0]  }
0x21: {  	v2 =	vld [tilespmem:s20+$0x10]  }
0x22: {  	v4 =	vld [tilespmem:s20+$0x20]  }
0x23: {  	s30 =	simm.s32 $0x0;
	v5 =	vld [tilespmem:s20+$0x30]  }
0x24: {  	s19 =	smul.u32 $0x6000, s30;
	v7 =	vld [tilespmem:s20+$0x40]  }
0x25: {  	v14 =	vld [tilespmem:s20+$0x60]  }
0x26: {  	v12 =	vld [tilespmem:s20+$0x50];
	s31 =	sshra.s32 s19, $0x2;
	s19 =	simm.s32 $0x80  }
0x27: {  	s20 =	simm.s32 $0x18080;
	s22 =	sand.u32 $0x380, s19;
	s21 =	sadd.s32 s31, s18;
	v0 =	vmul.f32 v0, v9;
	v6 =	vmul.f32 v1, v9  }
0x28: {  	s21 =	sadd.s32 s22, s21;
	v2 =	vmul.f32 v2, v9;
	v1 =	vld [tilespmem:s20+$0x0];
	v4 =	vmul.f32 v4, v9  }
0x29: {  	v3 =	vimm.f32 $0.0e+00;
	v8 =	vld [tilespmem:s21+$0x70];
	v13 =	vmul.f32 v5, v9;
	v7 =	vmul.f32 v7, v9  }
0x2a: {  	v11 =	vld [tilespmem:s21+$0x0];
	v14 =	vmul.f32 v14, v9;
	v0 =	vadd.f32 v0, v3;
	v6 =	vadd.f32 v6, v3  }
0x2b: {  	v10 =	vld [tilespmem:s21+$0x10];
	v5 =	vadd.f32 v4, v3;
	v4 =	vadd.f32 v13, v3;
	v13 =	vmul.f32 v12, v9  }
0x2c: {  	s23 =	simm.s32 $0x0;
	s22 =	simm.s32 $0x3;
	v2 =	vadd.f32 v2, v3;
	v12 =	vld [tilespmem:s21+$0x20];
	v7 =	vadd.f32 v7, v3;
	v9 =	vimm.f32 $0.0e+00  }
.LBB2_3:
0x2d: {  	p0 =	sne.s32 s22, $0x3F;
	s23 =	smul.u32 $0x6000, s23;
	v15 =	vld [tilespmem:s21+$0x30];
	v3 =	vadd.f32 v13, v3;
	v16 =	vmov v1  }
0x2e: {  	v13 =	vld [tilespmem:s21+$0x40];
	v1 =	vmul.f32 v8, v16;
	v9 =	vadd.f32 v14, v9  }
0x2f: {  	s19 =	sadd.s32 $0x80, s19;
	s23 =	sshra.s32 s23, $0x2;
	v8 =	vmul.f32 v11, v16;
	v14 =	vld [tilespmem:s21+$0x50]  }
0x30: {  	s20 =	sadd.s32 $0x80, s20;
	s24 =	sand.u32 $0x380, s19;
	s23 =	sadd.s32 s23, s18;
	v10 =	vmul.f32 v10, v16;
	v17 =	vld [tilespmem:s21+$0x60];
	v0 =	vadd.f32 v1, v0  }
.Ltmp0:
0x31: {  	v1 =	vld [tilespmem:s20+$0x0];
	s21 =	sadd.s32 s24, s23;
	v6 =	vadd.f32 v8, v6;
	v12 =	vmul.f32 v12, v16;
	(pc) =	sbr.rel @p0 .LBB2_3-.Ltmp0, $4  }
0x32: {  	v8 =	vld [tilespmem:s21+$0x70];
	v2 =	vadd.f32 v10, v2;
	v15 =	vmul.f32 v15, v16  }
0x33: {  	v11 =	vld [tilespmem:s21+$0x0];
	v5 =	vadd.f32 v12, v5;
	v18 =	vmul.f32 v13, v16  }
0x34: {  	v10 =	vld [tilespmem:s21+$0x10];
	v4 =	vadd.f32 v15, v4;
	v13 =	vmul.f32 v14, v16  }
0x35: {  	s23 =	sshrl.u32 s22, $0x3;
	s22 =	sadd.s32 $0x1, s22;
	v12 =	vld [tilespmem:s21+$0x20];
	v7 =	vadd.f32 v18, v7;
	v14 =	vmul.f32 v17, v16  }
0x36: {  	s22 =	smul.u32 $0x6000, s23;
	v15 =	vld [tilespmem:s21+$0x30]  }
0x37: {  	v16 =	vld [tilespmem:s21+$0x40]  }
0x38: {  	v17 =	vld [tilespmem:s21+$0x50];
	s19 =	sadd.s32 $0x80, s19;
	s22 =	sshra.s32 s22, $0x2  }
0x39: {  	v18 =	vld [tilespmem:s21+$0x60];
	s20 =	sadd.s32 $0x80, s20;
	s19 =	sand.u32 $0x380, s19;
	s18 =	sadd.s32 s22, s18  }
0x3a: {  	v19 =	vld [tilespmem:s20+$0x0];
	s18 =	sadd.s32 s19, s18  }
0x3b: {  	v20 =	vld [tilespmem:s18+$0x0]  }
0x3c: {  	v21 =	vld [tilespmem:s18+$0x10]  }
0x3d: {  	v8 =	vmul.f32 v8, v1;
	v11 =	vmul.f32 v11, v1;
	v47 =	vld [tilespmem:s18+$0x20]  }
0x3e: {  	v3 =	vadd.f32 v13, v3;
	v10 =	vmul.f32 v10, v1;
	v12 =	vmul.f32 v12, v1;
	v48 =	vld [tilespmem:s18+$0x30]  }
0x3f: {  	v9 =	vadd.f32 v14, v9;
	v49 =	vmul.f32 v15, v1;
	v50 =	vmul.f32 v16, v1;
	v51 =	vld [tilespmem:s18+$0x40]  }
0x40: {  	v6 =	vadd.f32 v11, v6;
	v53 =	vld [tilespmem:s18+$0x50];
	v57 =	vmul.f32 v17, v1;
	v52 =	vmul.f32 v20, v19  }
0x41: {  	v2 =	vadd.f32 v10, v2;
	v55 =	vld [tilespmem:s18+$0x60];
	v58 =	vmul.f32 v18, v1;
	v54 =	vmul.f32 v21, v19  }
0x42: {  	s31 =	sshll.u32 s17, $0x7;
	v56 =	vld [tilespmem:s18+$0x70];
	v5 =	vadd.f32 v12, v5;
	v13 =	vmul.f32 v47, v19;
	v6 =	vadd.f32 v52, v6  }
0x43: {  	s18 =	sand.u32 $0x3FFFFF80, s31;
	v4 =	vadd.f32 v49, v4;
	v14 =	vmul.f32 v48, v19;
	v2 =	vadd.f32 v54, v2  }
0x44: {  	v7 =	vadd.f32 v50, v7;
	v59 =	vmul.f32 v51, v19;
	v5 =	vadd.f32 v13, v5;
	[tilespmem:s18+$0x1A000] =	vst v6  }
0x45: {  	s17 =	sadd.s32 $0x1, s17;
	v3 =	vadd.f32 v57, v3;
	v60 =	vmul.f32 v53, v19;
	v4 =	vadd.f32 v14, v4;
	[tilespmem:s18+$0x1A010] =	vst v2  }
0x46: {  	p0 =	sne.s32 s17, $0x6;
	v1 =	vadd.f32 v58, v9;
	v62 =	vmul.f32 v55, v19;
	v61 =	vadd.f32 v59, v7;
	[tilespmem:s18+$0x1A020] =	vst v5  }
.Ltmp1:
0x47: {  	v0 =	vadd.f32 v8, v0;
	v63 =	vmul.f32 v56, v19;
	v3 =	vadd.f32 v60, v3;
	[tilespmem:s18+$0x1A030] =	vst v4;
	(pc) =	sbr.rel @p0 .LBB2_2-.Ltmp1, $4  }
0x48: {  	v1 =	vadd.f32 v62, v1;
	[tilespmem:s18+$0x1A040] =	vst v61  }
0x49: {  	v0 =	vadd.f32 v63, v0;
	[tilespmem:s18+$0x1A050] =	vst v3  }
0x4a: {  	[tilespmem:s18+$0x1A060] =	vst v1  }
0x4b: {  	[tilespmem:s18+$0x1A070] =	vst v0  }
0x4c: {  	_ =	swait.ge [sflag:s14], $0xC000  }
0x4d: {  	[sflag:s14] =	ssyncset.done $0x0  }
0x4e: {  	s17 =	simm.s32 $0x0;
	s18 =	simm.s32 $0x0;
	[sflag:s14] =	ssyncadd.s32 $0xFFFF4000  }
.LBB2_6:
0x4f: {  	s19 =	simm.s32 $0x0  }
0x50: {  	s20 =	sshll.u32 s18, $0xA;
	s21 =	smul.u32 $0x6000, s19  }
0x51: {  	s25 =	sand.u32 $0x3FFFFC00, s20  }
0x52: {  	s19 =	sadd.s32 $0xC000, s25;
	s26 =	sshra.s32 s21, $0x2  }
0x53: {  	s28 =	simm.s32 $0x18000;
	s22 =	sand.u32 $0x380, s17;
	s20 =	sadd.s32 s26, s19  }
0x54: {  	v9 =	vld [tilespmem:s28+$0x0];
	s29 =	sadd.s32 s22, s20  }
0x55: {  	v0 =	vld [tilespmem:s29+$0x70]  }
0x56: {  	v1 =	vld [tilespmem:s29+$0x0]  }
0x57: {  	v2 =	vld [tilespmem:s29+$0x10]  }
0x58: {  	v4 =	vld [tilespmem:s29+$0x20]  }
0x59: {  	s30 =	simm.s32 $0x0;
	v5 =	vld [tilespmem:s29+$0x30]  }
0x5a: {  	s20 =	smul.u32 $0x6000, s30;
	v7 =	vld [tilespmem:s29+$0x40]  }
0x5b: {  	v14 =	vld [tilespmem:s29+$0x60]  }
0x5c: {  	v12 =	vld [tilespmem:s29+$0x50];
	s31 =	sshra.s32 s20, $0x2;
	s20 =	simm.s32 $0x80  }
0x5d: {  	s21 =	simm.s32 $0x18080;
	s23 =	sand.u32 $0x380, s20;
	s22 =	sadd.s32 s31, s19;
	v0 =	vmul.f32 v0, v9;
	v6 =	vmul.f32 v1, v9  }
0x5e: {  	s22 =	sadd.s32 s23, s22;
	v2 =	vmul.f32 v2, v9;
	v1 =	vld [tilespmem:s21+$0x0];
	v4 =	vmul.f32 v4, v9  }
0x5f: {  	v3 =	vimm.f32 $0.0e+00;
	v8 =	vld [tilespmem:s22+$0x70];
	v13 =	vmul.f32 v5, v9;
	v7 =	vmul.f32 v7, v9  }
0x60: {  	v11 =	vld [tilespmem:s22+$0x0];
	v14 =	vmul.f32 v14, v9;
	v0 =	vadd.f32 v0, v3;
	v6 =	vadd.f32 v6, v3  }
0x61: {  	v10 =	vld [tilespmem:s22+$0x10];
	v5 =	vadd.f32 v4, v3;
	v4 =	vadd.f32 v13, v3;
	v13 =	vmul.f32 v12, v9  }
0x62: {  	s24 =	simm.s32 $0x0;
	s23 =	simm.s32 $0x3;
	v2 =	vadd.f32 v2, v3;
	v12 =	vld [tilespmem:s22+$0x20];
	v7 =	vadd.f32 v7, v3;
	v9 =	vimm.f32 $0.0e+00  }
.LBB2_7:
0x63: {  	p0 =	sne.s32 s23, $0x3F;
	s24 =	smul.u32 $0x6000, s24;
	v15 =	vld [tilespmem:s22+$0x30];
	v3 =	vadd.f32 v13, v3;
	v16 =	vmov v1  }
0x64: {  	v13 =	vld [tilespmem:s22+$0x40];
	v1 =	vmul.f32 v8, v16;
	v9 =	vadd.f32 v14, v9  }
0x65: {  	s20 =	sadd.s32 $0x80, s20;
	s24 =	sshra.s32 s24, $0x2;
	v8 =	vmul.f32 v11, v16;
	v14 =	vld [tilespmem:s22+$0x50]  }
0x66: {  	s21 =	sadd.s32 $0x80, s21;
	s25 =	sand.u32 $0x380, s20;
	s24 =	sadd.s32 s24, s19;
	v10 =	vmul.f32 v10, v16;
	v17 =	vld [tilespmem:s22+$0x60];
	v0 =	vadd.f32 v1, v0  }
.Ltmp2:
0x67: {  	v1 =	vld [tilespmem:s21+$0x0];
	s22 =	sadd.s32 s25, s24;
	v6 =	vadd.f32 v8, v6;
	v12 =	vmul.f32 v12, v16;
	(pc) =	sbr.rel @p0 .LBB2_7-.Ltmp2, $4  }
0x68: {  	v8 =	vld [tilespmem:s22+$0x70];
	v2 =	vadd.f32 v10, v2;
	v15 =	vmul.f32 v15, v16  }
0x69: {  	v11 =	vld [tilespmem:s22+$0x0];
	v5 =	vadd.f32 v12, v5;
	v18 =	vmul.f32 v13, v16  }
0x6a: {  	v10 =	vld [tilespmem:s22+$0x10];
	v4 =	vadd.f32 v15, v4;
	v13 =	vmul.f32 v14, v16  }
0x6b: {  	s24 =	sshrl.u32 s23, $0x3;
	s23 =	sadd.s32 $0x1, s23;
	v12 =	vld [tilespmem:s22+$0x20];
	v7 =	vadd.f32 v18, v7;
	v14 =	vmul.f32 v17, v16  }
0x6c: {  	s23 =	smul.u32 $0x6000, s24;
	v15 =	vld [tilespmem:s22+$0x30]  }
0x6d: {  	v16 =	vld [tilespmem:s22+$0x40]  }
0x6e: {  	v17 =	vld [tilespmem:s22+$0x50];
	s20 =	sadd.s32 $0x80, s20;
	s23 =	sshra.s32 s23, $0x2  }
0x6f: {  	v18 =	vld [tilespmem:s22+$0x60];
	s21 =	sadd.s32 $0x80, s21;
	s20 =	sand.u32 $0x380, s20;
	s19 =	sadd.s32 s23, s19  }
0x70: {  	v19 =	vld [tilespmem:s21+$0x0];
	s19 =	sadd.s32 s20, s19  }
0x71: {  	v20 =	vld [tilespmem:s19+$0x0]  }
0x72: {  	v21 =	vld [tilespmem:s19+$0x10]  }
0x73: {  	v8 =	vmul.f32 v8, v1;
	v11 =	vmul.f32 v11, v1;
	v47 =	vld [tilespmem:s19+$0x20]  }
0x74: {  	v3 =	vadd.f32 v13, v3;
	v10 =	vmul.f32 v10, v1;
	v12 =	vmul.f32 v12, v1;
	v48 =	vld [tilespmem:s19+$0x30]  }
0x75: {  	v9 =	vadd.f32 v14, v9;
	v49 =	vmul.f32 v15, v1;
	v50 =	vmul.f32 v16, v1;
	v51 =	vld [tilespmem:s19+$0x40]  }
0x76: {  	v6 =	vadd.f32 v11, v6;
	v53 =	vld [tilespmem:s19+$0x50];
	v57 =	vmul.f32 v17, v1;
	v52 =	vmul.f32 v20, v19  }
0x77: {  	v2 =	vadd.f32 v10, v2;
	v55 =	vld [tilespmem:s19+$0x60];
	v58 =	vmul.f32 v18, v1;
	v54 =	vmul.f32 v21, v19  }
0x78: {  	s31 =	sshll.u32 s18, $0x7;
	v56 =	vld [tilespmem:s19+$0x70];
	v5 =	vadd.f32 v12, v5;
	v13 =	vmul.f32 v47, v19;
	v6 =	vadd.f32 v52, v6  }
0x79: {  	s19 =	sand.u32 $0x3FFFFF80, s31;
	v4 =	vadd.f32 v49, v4;
	v14 =	vmul.f32 v48, v19;
	v2 =	vadd.f32 v54, v2  }
0x7a: {  	v7 =	vadd.f32 v50, v7;
	v59 =	vmul.f32 v51, v19;
	v5 =	vadd.f32 v13, v5;
	[tilespmem:s19+$0x1A300] =	vst v6  }
0x7b: {  	s18 =	sadd.s32 $0x1, s18;
	v3 =	vadd.f32 v57, v3;
	v60 =	vmul.f32 v53, v19;
	v4 =	vadd.f32 v14, v4;
	[tilespmem:s19+$0x1A310] =	vst v2  }
0x7c: {  	p0 =	sne.s32 s18, $0x6;
	v1 =	vadd.f32 v58, v9;
	v62 =	vmul.f32 v55, v19;
	v61 =	vadd.f32 v59, v7;
	[tilespmem:s19+$0x1A320] =	vst v5  }
.Ltmp3:
0x7d: {  	v0 =	vadd.f32 v8, v0;
	v63 =	vmul.f32 v56, v19;
	v3 =	vadd.f32 v60, v3;
	[tilespmem:s19+$0x1A330] =	vst v4;
	(pc) =	sbr.rel @p0 .LBB2_6-.Ltmp3, $4  }
0x7e: {  	v1 =	vadd.f32 v62, v1;
	[tilespmem:s19+$0x1A340] =	vst v61  }
0x7f: {  	v0 =	vadd.f32 v63, v0;
	[tilespmem:s19+$0x1A350] =	vst v3  }
0x80: {  	[tilespmem:s19+$0x1A360] =	vst v1  }
0x81: {  	[tilespmem:s19+$0x1A370] =	vst v0  }
0x82: {  	s16 =	sadd.s32 $0x1, s16  }
0x83: {  	p0 =	sne.s32 s16, s7  }
.Ltmp4:
0x84: {  	_ = 	snop;
	(pc) =	sbr.rel @p0 .LBB2_1-.Ltmp4, $4  }
0x85: {  	[hbm4b:s6+s2] =	stream.linear.scatter [tilespmem:s15], [sflag:$0x3], $0x600, $0x38;
	[tilespmem:$0x1A600] =	vst v63  }
0x86: {  	_ =	swait.ge [sflag:s9], $0x600  }
0x87: {  	[sflag:s9] =	ssyncset.done $0x0  }
0x88: {  	[sflag:s9] =	ssyncadd.s32 $0xFFFFFA00  }
0x89: {  	_ =	sfence.sel $0x180000  }
0x8a: {  	[bflag:$0x0] =	sbarrier.arrive $0xFFFF  }
0x8b: {  	p0 =	sne.s32 s1, $0x0;
	_ =	strace $0x90000047  }
0x8c: {  	s0 =	sadd.s32 @!p0 $0x100000, s0;
	[bflag:$0x2] =	sbarrier.arrive $0xFFFF  }
0x8d: {  	[sflag:s0] =	ssyncadd.tile.s32 @!p0 $0x1;
	_ =	shalt  }
.Lfunc_end2:
_tile_overlayer_lowered:
.L_overlay_start_2:
0x8e: {  	(tag) =	ssettag $0x2  }
0x8f: {  	s0 =	rddreg [dreg:$0x0];
	s2 =	stileid.u32  }
0x90: {  	s1 =	rddreg [dreg:$0x1];
	p0 =	sne.s32 s2, $0x0  }
0x91: {  	s3 =	rddreg [dreg:$0x2];
	[bflag:$0x3] =	sbarrier.arrive $0xFFFF;
	s2 =	simm.s32 @!p0 $0x1C03  }
0x92: {  	[timem:s3], [sflag:s2] =	dma.local @!p0 [hbm:s0], s1  }
0x93: {  	s0 =	simm.s32 @!p0 $0x3  }
0x94: {  	_ =	swait.ge @!p0 [sflag:s0], s1  }
0x95: {  	s1 =	ssub.s32 @!p0 $0x0, s1;
	[sflag:s0] =	ssyncset.done @!p0 $0x0  }
0x96: {  	[sflag:s0] =	ssyncadd.s32 @!p0 s1  }
0x97: {  	[bflag:$0x3] =	sbarrier.arrive $0xFFFF  }
0x98: {  	_ =	shalt  }

</sc_bundles>
